<compile_context>
chip_gen: v7x
topology: tpu7x:2x2x1
jax: 0.10.2.dev20260603
libtpu: 0.0.44.dev20260713+nightly
codegen_flags: <defaults>
</compile_context>

<pallas_src>
import functools

import jax
import jax.numpy as jnp
from jax.experimental import pallas as pl
from jax.experimental.pallas import tpu as pltpu
from jax.experimental.pallas import tpu_sc as plsc

_BM = 128
_TM = 128
_NBUF = 3



def _routing_kernel(eid_ref, sp_ref, off_ref):
    n, _ = eid_ref.shape
    n_exp = 64
    ids = eid_ref[...]
    oh = (ids == jax.lax.broadcasted_iota(jnp.int32, (n, n_exp), 1))
    ohf = oh.astype(jnp.float32)
    tri = (jax.lax.broadcasted_iota(jnp.int32, (_BM, _BM), 0)
           >= jax.lax.broadcasted_iota(jnp.int32, (_BM, _BM), 1)
           ).astype(jnp.float32)
    ones = jnp.ones((1, _BM), jnp.float32)
    pref = [jnp.zeros((1, n_exp), jnp.float32)]
    for k in range(n // _BM):
        blk = ohf[k * _BM:(k + 1) * _BM, :]
        csums = jax.lax.dot_general(
            ones, blk, (((1,), (0,)), ((), ())),
            preferred_element_type=jnp.float32)
        pref.append(pref[-1] + csums)
    sel = (jax.lax.broadcasted_iota(jnp.int32, (n_exp, 128), 0)
           < jax.lax.broadcasted_iota(jnp.int32, (n_exp, 128), 1)
           ).astype(jnp.float32)
    offp = jax.lax.dot_general(
        pref[-1], sel, (((1,), (0,)), ((), ())),
        preferred_element_type=jnp.float32)
    off_ref[...] = offp.astype(jnp.int32)
    base = offp[:, 0:n_exp]
    for k in range(n // _BM):
        blk = ohf[k * _BM:(k + 1) * _BM, :]
        excl = jax.lax.dot_general(
            tri, blk, (((1,), (0,)), ((), ())),
            preferred_element_type=jnp.float32) - blk
        spv = jnp.sum(blk * (excl + pref[k] + base), axis=1, keepdims=True)
        sp_ref[k * _BM:(k + 1) * _BM, :] = spv.astype(jnp.int32)


def _routing(eid, *, interpret=False):
    n = eid.shape[0]
    return pl.pallas_call(
        _routing_kernel,
        out_shape=(jax.ShapeDtypeStruct((n, 1), jnp.int32),
                   jax.ShapeDtypeStruct((1, 128), jnp.int32)),
        interpret=interpret,
    )(eid.reshape(n, 1))



_NW = 32


def _sc_worker_id():
    return jax.lax.axis_index("s") * 2 + jax.lax.axis_index("c")


def _sc_scatter_rows(x, idx, out_rows):
    n, d = x.shape
    bpw = n // _NW
    mesh = plsc.VectorSubcoreMesh(core_axis_name="c", subcore_axis_name="s")

    @functools.partial(
        pl.kernel, mesh=mesh,
        out_type=jax.ShapeDtypeStruct((out_rows, d), x.dtype),
        scratch_types=[pltpu.VMEM((bpw,), jnp.int32),
                       pltpu.VMEM((bpw, d), x.dtype),
                       pltpu.SemaphoreType.DMA])
    def k(x_hbm, i_hbm, o_hbm, idx_v, rows_v, sem):
        base = _sc_worker_id() * bpw
        pltpu.sync_copy(i_hbm.at[pl.ds(base, bpw)], idx_v)
        pltpu.sync_copy(x_hbm.at[pl.ds(base, bpw)], rows_v)
        pltpu.async_copy(rows_v, o_hbm.at[idx_v], sem).wait()

    return k(x, idx)


def _sc_gather_rows(src, idx):
    n = idx.shape[0]
    d = src.shape[1]
    bpw = n // _NW
    mesh = plsc.VectorSubcoreMesh(core_axis_name="c", subcore_axis_name="s")

    @functools.partial(
        pl.kernel, mesh=mesh,
        out_type=jax.ShapeDtypeStruct((n, d), src.dtype),
        scratch_types=[pltpu.VMEM((bpw,), jnp.int32),
                       pltpu.VMEM((bpw, d), src.dtype),
                       pltpu.SemaphoreType.DMA])
    def k(s_hbm, i_hbm, o_hbm, idx_v, rows_v, sem):
        base = _sc_worker_id() * bpw
        pltpu.sync_copy(i_hbm.at[pl.ds(base, bpw)], idx_v)
        pltpu.async_copy(s_hbm.at[idx_v], rows_v, sem).wait()
        pltpu.sync_copy(rows_v, o_hbm.at[pl.ds(base, bpw)])

    return k(src, idx)



def _mlp_expert_kernel(off_ref, xs_ref, w1_hbm, w2_hbm, b2_ref, ys_ref,
                       w1_buf, w2_buf, sem1, sem2):
    e = pl.program_id(0)
    n_exp = pl.num_programs(0)
    start = off_ref[e]
    end = off_ref[e + 1]
    slot = jax.lax.rem(e, _NBUF)

    def _w_copy(i, s):
        return (pltpu.make_async_copy(w1_hbm.at[i], w1_buf.at[s], sem1.at[s]),
                pltpu.make_async_copy(w2_hbm.at[i], w2_buf.at[s], sem2.at[s]))

    @pl.when(e == 0)
    def _():
        for i in range(_NBUF - 1):
            if i < n_exp:
                for c in _w_copy(i, i):
                    c.start()

    @pl.when(e + _NBUF - 1 < n_exp)
    def _():
        for c in _w_copy(e + _NBUF - 1, jax.lax.rem(e + _NBUF - 1, _NBUF)):
            c.start()

    for c in _w_copy(e, slot):
        c.wait()

    w1 = w1_buf[slot]
    w2 = w2_buf[slot]
    b2 = b2_ref[0]
    s_base = (start // 8) * 8
    nt = jnp.where(end > start, (end - s_base + _TM - 1) // _TM, 0)

    def body(k, carry):
        s = s_base + k * _TM
        xb = xs_ref[pl.ds(s, _TM), :]
        h = jax.lax.dot_general(
            xb, w1, (((1,), (1,)), ((), ())),
            preferred_element_type=jnp.float32,
            precision=jax.lax.Precision.DEFAULT)
        h = 0.5 * h * (1.0 + jax.lax.erf(h * 0.7071067811865476))
        y = jax.lax.dot_general(
            h, w2, (((1,), (1,)), ((), ())),
            preferred_element_type=jnp.float32,
            precision=jax.lax.Precision.DEFAULT) + b2
        rows = s + jax.lax.broadcasted_iota(jnp.int32, (_TM, 1), 0)
        valid = (rows >= start) & (rows < end)
        cur = ys_ref[pl.ds(s, _TM), :]
        ys_ref[pl.ds(s, _TM), :] = jnp.where(valid, y, cur)
        return carry

    jax.lax.fori_loop(0, nt, body, 0)


def _grouped_mlp(offsets, xs, W1, W2, b2, *, interpret=False):
    n_rows, D = xs.shape
    E, H1, _ = W1.shape
    O = W2.shape[1]
    grid_spec = pltpu.PrefetchScalarGridSpec(
        num_scalar_prefetch=1,
        grid=(E,),
        in_specs=[
            pl.BlockSpec((n_rows, D), lambda e, off: (0, 0)),
            pl.BlockSpec(memory_space=pl.ANY),
            pl.BlockSpec(memory_space=pl.ANY),
            pl.BlockSpec((1, 1, O), lambda e, off: (e, 0, 0)),
        ],
        out_specs=pl.BlockSpec((n_rows, O), lambda e, off: (0, 0)),
        scratch_shapes=[
            pltpu.VMEM((_NBUF, H1, D), jnp.float32),
            pltpu.VMEM((_NBUF, O, H1), jnp.float32),
            pltpu.SemaphoreType.DMA((_NBUF,)),
            pltpu.SemaphoreType.DMA((_NBUF,)),
        ],
    )
    return pl.pallas_call(
        _mlp_expert_kernel,
        grid_spec=grid_spec,
        out_shape=jax.ShapeDtypeStruct((n_rows, O), jnp.float32),
        interpret=interpret,
    )(offsets, xs, W1, W2, b2.reshape(E, 1, O))


def kernel(x, eid, W1, W2, b2):
    B = x.shape[0]
    sp, offp = _routing(eid)
    sp_flat = sp.reshape(B)
    offsets = offp.reshape(128)
    xs = _sc_scatter_rows(x, sp_flat, B + _TM)
    ys = _grouped_mlp(offsets, xs, W1, W2, b2)
    return _sc_gather_rows(ys, sp_flat)

# --- scband reference (transcript-rebuilt; emitter-appended) ---
"""Pipeline reference for scband-row-wise-experts-mlp-21406117003383 (READ-ONLY COPY).

The authoritative reference and input builder live on the scoring server;
editing this copy changes nothing except your own understanding.
"""

import jax, jax.numpy as jnp
import numpy as np
import math

D, H1, O, E = 768, 1024, 768, 64
B = 2048

def _kaiming_uniform(key, shape, fan_in):
    gain = math.sqrt(2.0)
    bound = gain * math.sqrt(3.0 / fan_in)
    return jax.random.uniform(key, shape, minval=-bound, maxval=bound, dtype=jnp.float32)

def setup_inputs(seed: int = 0) -> dict:
    key = jax.random.key(seed)
    k1, k2, k3, k4 = jax.random.split(key, 4)
    x = jax.random.normal(k1, (B, D), dtype=jnp.float32)
    eid = jax.random.randint(k2, (B,), 0, E, dtype=jnp.int32)
    # torch kaiming_uniform_ on (E, H1, D): fan_in = H1 * D? No: fan_in = size(1)*prod(dims 2:) = H1*D -> actually size(1)=H1, receptive=D -> fan_in=H1*D
    W1 = _kaiming_uniform(k3, (E, H1, D), H1 * D)
    W2 = _kaiming_uniform(k4, (E, O, H1), O * H1)
    b2 = jnp.zeros((E, O), dtype=jnp.float32)
    return {"x": x, "eid": eid, "W1": W1, "W2": W2, "b2": b2}

def reference(x, eid, W1, W2, b2):
    # Faithful translation: per-expert gather -> MLP (gelu) -> scatter back.
    # Sorting+unsorting in the torch code is a pure permutation and cancels out;
    # the math per token is identical.
    n_experts = W1.shape[0]
    Y0 = jnp.zeros((x.shape[0], W2.shape[1]), dtype=x.dtype)

    def body(Y, inputs):
        e, W1_e, W2_e, b2_e = inputs
        H_e = x @ W1_e.T
        H_e = jax.nn.gelu(H_e, approximate=False)
        Y_e = H_e @ W2_e.T + b2_e
        mask = (eid == e)[:, None]
        return jnp.where(mask, Y_e, Y), None

    es = jnp.arange(n_experts, dtype=eid.dtype)
    Y, _ = jax.lax.scan(body, Y0, (es, W1, W2, b2))
    return Y

if __name__ == "__main__":
    import jax
    _d = setup_inputs()
    print(jax.jit(kernel)(*tuple(_d.values())))

</pallas_src>

<mosaic_0001>
#map = affine_map<(d0, d1) -> (0, 0)>
#map1 = affine_map<(d0, d1) -> (0)>
module attributes {stable_mosaic.version = 14 : i64} {
  func.func @k(%arg0: i32, %arg1: i32, %arg2: memref<2048x768xf32, #tpu.memory_space<hbm>>, %arg3: memref<2048xi32, #tpu.memory_space<hbm>>, %arg4: memref<2176x768xf32, #tpu.memory_space<hbm>>, %arg5: memref<64xi32, #tpu.memory_space<vmem>>, %arg6: memref<64x768xf32, #tpu.memory_space<vmem>>, %arg7: memref<!tpu.dma_semaphore, #tpu.memory_space<semaphore_mem>>) attributes {dimension_semantics = [#tpu.dimension_semantics<core_parallel>, #tpu.dimension_semantics<subcore_parallel>], iteration_bounds = array<i64: 2, 16>, scalar_prefetch = 0 : i64, scratch_operands = 3 : i64, tpu.core_type = #tpu.core_type<sc_vector_subcore>, window_params = [{transform_indices = #map}, {transform_indices = #map1}, {transform_indices = #map}]} {
    %mul3A = arith.constant 2 : i32
    %mul3A_0 = arith.muli %arg1, %mul3A : i32
    %add3A = arith.addi %mul3A_0, %arg0 : i32
    %mul3A_1 = arith.constant 64 : i32
    %mul3A_2 = arith.muli %add3A, %mul3A_1 : i32
    "tpu.region"() ({
      %run_scoped3A = tpu.sem_alloc : memref<!tpu.dma_semaphore, #tpu.memory_space<semaphore_mem>>
      %dma_start3A_7 = tpu.memref_slice %arg3[%mul3A_2] : memref<2048xi32, #tpu.memory_space<hbm>> -> memref<64xi32, #tpu.memory_space<hbm>>
      %dma_start3A_8 = tpu.memref_slice %arg3[%mul3A_2] : memref<2048xi32, #tpu.memory_space<hbm>> -> memref<64xi32, #tpu.memory_space<hbm>>
      tpu.enqueue_dma source(%dma_start3A_8 : memref<64xi32, #tpu.memory_space<hbm>>) target(%arg5 : memref<64xi32, #tpu.memory_space<vmem>>) target_semaphore(%run_scoped3A : memref<!tpu.dma_semaphore, #tpu.memory_space<semaphore_mem>>)
      %dma_wait3A_9 = tpu.memref_slice %arg3[%mul3A_2] : memref<2048xi32, #tpu.memory_space<hbm>> -> memref<64xi32, #tpu.memory_space<hbm>>
      %dma_wait3A_10 = tpu.memref_slice %arg3[%mul3A_2] : memref<2048xi32, #tpu.memory_space<hbm>> -> memref<64xi32, #tpu.memory_space<hbm>>
      tpu.wait_dma2 semaphore(%run_scoped3A : memref<!tpu.dma_semaphore, #tpu.memory_space<semaphore_mem>>) src(%dma_wait3A_10 : memref<64xi32, #tpu.memory_space<hbm>>) dst(%arg5 : memref<64xi32, #tpu.memory_space<vmem>>)
      tpu.yield
    }) : () -> ()
    "tpu.region"() ({
      %run_scoped3A = tpu.sem_alloc : memref<!tpu.dma_semaphore, #tpu.memory_space<semaphore_mem>>
      %dma_start3A_7 = arith.constant 0 : i32
      %dma_start3A_8 = tpu.memref_slice %arg2[%mul3A_2, %dma_start3A_7] : memref<2048x768xf32, #tpu.memory_space<hbm>> -> memref<64x768xf32, #tpu.memory_space<hbm>>
      %dma_start3A_9 = arith.constant 0 : i32
      %dma_start3A_10 = tpu.memref_slice %arg2[%mul3A_2, %dma_start3A_9] : memref<2048x768xf32, #tpu.memory_space<hbm>> -> memref<64x768xf32, #tpu.memory_space<hbm>>
      tpu.enqueue_dma source(%dma_start3A_10 : memref<64x768xf32, #tpu.memory_space<hbm>>) target(%arg6 : memref<64x768xf32, #tpu.memory_space<vmem>>) target_semaphore(%run_scoped3A : memref<!tpu.dma_semaphore, #tpu.memory_space<semaphore_mem>>)
      %dma_wait3A_11 = arith.constant 0 : i32
      %dma_wait3A_12 = tpu.memref_slice %arg2[%mul3A_2, %dma_wait3A_11] : memref<2048x768xf32, #tpu.memory_space<hbm>> -> memref<64x768xf32, #tpu.memory_space<hbm>>
      %dma_wait3A_13 = arith.constant 0 : i32
      %dma_wait3A_14 = tpu.memref_slice %arg2[%mul3A_2, %dma_wait3A_13] : memref<2048x768xf32, #tpu.memory_space<hbm>> -> memref<64x768xf32, #tpu.memory_space<hbm>>
      tpu.wait_dma2 semaphore(%run_scoped3A : memref<!tpu.dma_semaphore, #tpu.memory_space<semaphore_mem>>) src(%dma_wait3A_14 : memref<64x768xf32, #tpu.memory_space<hbm>>) dst(%arg6 : memref<64x768xf32, #tpu.memory_space<vmem>>)
      tpu.yield
    }) : () -> ()
    %dma_start3A = arith.constant 0 : i32
    %dma_start3A_3 = arith.constant 0 : i32
    %dma_start3A_4 = tpu.memref_slice %arg4[%dma_start3A, %dma_start3A_3] : memref<2176x768xf32, #tpu.memory_space<hbm>> -> memref<2176x768xf32, #tpu.memory_space<hbm>>
    tpu.enqueue_indirect_dma source(%arg6 : memref<64x768xf32, #tpu.memory_space<vmem>>) target(%dma_start3A_4 : memref<2176x768xf32, #tpu.memory_space<hbm>>) offsets(%arg5 : memref<64xi32, #tpu.memory_space<vmem>>) semaphore(%arg7 : memref<!tpu.dma_semaphore, #tpu.memory_space<semaphore_mem>>)
    %dma_wait3A = arith.constant 0 : i32
    %dma_wait3A_5 = arith.constant 0 : i32
    %dma_wait3A_6 = tpu.memref_slice %arg4[%dma_wait3A, %dma_wait3A_5] : memref<2176x768xf32, #tpu.memory_space<hbm>> -> memref<2176x768xf32, #tpu.memory_space<hbm>>
    tpu.wait_indirect_dma semaphore(%arg7 : memref<!tpu.dma_semaphore, #tpu.memory_space<semaphore_mem>>) src(%arg6 : memref<64x768xf32, #tpu.memory_space<vmem>>) dst(%dma_wait3A_6 : memref<2176x768xf32, #tpu.memory_space<hbm>>)
    return
  }
}

#map = affine_map<(d0, d1) -> (0, 0)>
#map1 = affine_map<(d0, d1) -> (0)>
module attributes {stable_mosaic.version = 14 : i64} {
  func.func @k(%arg0: i32, %arg1: i32, %arg2: memref<2176x768xf32, #tpu.memory_space<hbm>>, %arg3: memref<2048xi32, #tpu.memory_space<hbm>>, %arg4: memref<2048x768xf32, #tpu.memory_space<hbm>>, %arg5: memref<64xi32, #tpu.memory_space<vmem>>, %arg6: memref<64x768xf32, #tpu.memory_space<vmem>>, %arg7: memref<!tpu.dma_semaphore, #tpu.memory_space<semaphore_mem>>) attributes {dimension_semantics = [#tpu.dimension_semantics<core_parallel>, #tpu.dimension_semantics<subcore_parallel>], iteration_bounds = array<i64: 2, 16>, scalar_prefetch = 0 : i64, scratch_operands = 3 : i64, tpu.core_type = #tpu.core_type<sc_vector_subcore>, window_params = [{transform_indices = #map}, {transform_indices = #map1}, {transform_indices = #map}]} {
    %mul3A = arith.constant 2 : i32
    %mul3A_0 = arith.muli %arg1, %mul3A : i32
    %add3A = arith.addi %mul3A_0, %arg0 : i32
    %mul3A_1 = arith.constant 64 : i32
    %mul3A_2 = arith.muli %add3A, %mul3A_1 : i32
    "tpu.region"() ({
      %run_scoped3A = tpu.sem_alloc : memref<!tpu.dma_semaphore, #tpu.memory_space<semaphore_mem>>
      %dma_start3A_7 = tpu.memref_slice %arg3[%mul3A_2] : memref<2048xi32, #tpu.memory_space<hbm>> -> memref<64xi32, #tpu.memory_space<hbm>>
      %dma_start3A_8 = tpu.memref_slice %arg3[%mul3A_2] : memref<2048xi32, #tpu.memory_space<hbm>> -> memref<64xi32, #tpu.memory_space<hbm>>
      tpu.enqueue_dma source(%dma_start3A_8 : memref<64xi32, #tpu.memory_space<hbm>>) target(%arg5 : memref<64xi32, #tpu.memory_space<vmem>>) target_semaphore(%run_scoped3A : memref<!tpu.dma_semaphore, #tpu.memory_space<semaphore_mem>>)
      %dma_wait3A_9 = tpu.memref_slice %arg3[%mul3A_2] : memref<2048xi32, #tpu.memory_space<hbm>> -> memref<64xi32, #tpu.memory_space<hbm>>
      %dma_wait3A_10 = tpu.memref_slice %arg3[%mul3A_2] : memref<2048xi32, #tpu.memory_space<hbm>> -> memref<64xi32, #tpu.memory_space<hbm>>
      tpu.wait_dma2 semaphore(%run_scoped3A : memref<!tpu.dma_semaphore, #tpu.memory_space<semaphore_mem>>) src(%dma_wait3A_10 : memref<64xi32, #tpu.memory_space<hbm>>) dst(%arg5 : memref<64xi32, #tpu.memory_space<vmem>>)
      tpu.yield
    }) : () -> ()
    %dma_start3A = arith.constant 0 : i32
    %dma_start3A_3 = arith.constant 0 : i32
    %dma_start3A_4 = tpu.memref_slice %arg2[%dma_start3A, %dma_start3A_3] : memref<2176x768xf32, #tpu.memory_space<hbm>> -> memref<2176x768xf32, #tpu.memory_space<hbm>>
    tpu.enqueue_indirect_dma source(%dma_start3A_4 : memref<2176x768xf32, #tpu.memory_space<hbm>>) target(%arg6 : memref<64x768xf32, #tpu.memory_space<vmem>>) offsets(%arg5 : memref<64xi32, #tpu.memory_space<vmem>>) semaphore(%arg7 : memref<!tpu.dma_semaphore, #tpu.memory_space<semaphore_mem>>)
    %dma_wait3A = arith.constant 0 : i32
    %dma_wait3A_5 = arith.constant 0 : i32
    %dma_wait3A_6 = tpu.memref_slice %arg2[%dma_wait3A, %dma_wait3A_5] : memref<2176x768xf32, #tpu.memory_space<hbm>> -> memref<2176x768xf32, #tpu.memory_space<hbm>>
    tpu.wait_indirect_dma semaphore(%arg7 : memref<!tpu.dma_semaphore, #tpu.memory_space<semaphore_mem>>) src(%dma_wait3A_6 : memref<2176x768xf32, #tpu.memory_space<hbm>>) dst(%arg6 : memref<64x768xf32, #tpu.memory_space<vmem>>)
    "tpu.region"() ({
      %run_scoped3A = tpu.sem_alloc : memref<!tpu.dma_semaphore, #tpu.memory_space<semaphore_mem>>
      %dma_start3A_7 = arith.constant 0 : i32
      %dma_start3A_8 = tpu.memref_slice %arg4[%mul3A_2, %dma_start3A_7] : memref<2048x768xf32, #tpu.memory_space<hbm>> -> memref<64x768xf32, #tpu.memory_space<hbm>>
      %dma_start3A_9 = arith.constant 0 : i32
      %dma_start3A_10 = tpu.memref_slice %arg4[%mul3A_2, %dma_start3A_9] : memref<2048x768xf32, #tpu.memory_space<hbm>> -> memref<64x768xf32, #tpu.memory_space<hbm>>
      tpu.enqueue_dma source(%arg6 : memref<64x768xf32, #tpu.memory_space<vmem>>) target(%dma_start3A_10 : memref<64x768xf32, #tpu.memory_space<hbm>>) target_semaphore(%run_scoped3A : memref<!tpu.dma_semaphore, #tpu.memory_space<semaphore_mem>>)
      %dma_wait3A_11 = arith.constant 0 : i32
      %dma_wait3A_12 = tpu.memref_slice %arg4[%mul3A_2, %dma_wait3A_11] : memref<2048x768xf32, #tpu.memory_space<hbm>> -> memref<64x768xf32, #tpu.memory_space<hbm>>
      %dma_wait3A_13 = arith.constant 0 : i32
      %dma_wait3A_14 = tpu.memref_slice %arg4[%mul3A_2, %dma_wait3A_13] : memref<2048x768xf32, #tpu.memory_space<hbm>> -> memref<64x768xf32, #tpu.memory_space<hbm>>
      tpu.wait_dma2 semaphore(%run_scoped3A : memref<!tpu.dma_semaphore, #tpu.memory_space<semaphore_mem>>) src(%arg6 : memref<64x768xf32, #tpu.memory_space<vmem>>) dst(%dma_wait3A_14 : memref<64x768xf32, #tpu.memory_space<hbm>>)
      tpu.yield
    }) : () -> ()
    return
  }
}

module attributes {stable_mosaic.version = 14 : i64} {
  func.func @_routing_kernel(%arg0: memref<2048x1xi32, #tpu.memory_space<vmem>>, %arg1: memref<2048x1xi32, #tpu.memory_space<vmem>>, %arg2: memref<1x128xi32, #tpu.memory_space<vmem>>) attributes {dimension_semantics = [], scalar_prefetch = 0 : i64, scratch_operands = 0 : i64, tpu.core_type = #tpu.core_type<tc>} {
    %get3A = arith.constant 0 : index
    %get3A_0 = arith.constant 0 : index
    %get3A_1 = vector.load %arg0[%get3A, %get3A_0] : memref<2048x1xi32, #tpu.memory_space<vmem>>, vector<2048x1xi32>
    %iota3A = tpu.iota {dimensions = array<i32: 1>} : vector<2048x64xi32>
    %eq3A = vector.broadcast %get3A_1 : vector<2048x1xi32> to vector<2048x64xi32>
    %eq3A_2 = arith.cmpi eq, %eq3A, %iota3A : vector<2048x64xi32>
    %convert_element_type3A = arith.extui %eq3A_2 : vector<2048x64xi1> to vector<2048x64xi32>
    %convert_element_type3A_3 = arith.sitofp %convert_element_type3A : vector<2048x64xi32> to vector<2048x64xf32>
    %iota3A_4 = tpu.iota {dimensions = array<i32: 0>} : vector<128x128xi32>
    %iota3A_5 = tpu.iota {dimensions = array<i32: 1>} : vector<128x128xi32>
    %ge3A = arith.cmpi sge, %iota3A_4, %iota3A_5 : vector<128x128xi32>
    %convert_element_type3A_6 = arith.extui %ge3A : vector<128x128xi1> to vector<128x128xi32>
    %convert_element_type3A_7 = arith.sitofp %convert_element_type3A_6 : vector<128x128xi32> to vector<128x128xf32>
    %broadcast_in_dim3A = arith.constant 1.000000e+00 : f32
    %broadcast_in_dim3A_8 = vector.broadcast %broadcast_in_dim3A : f32 to vector<1x128xf32>
    %broadcast_in_dim3A_9 = arith.constant 0.000000e+00 : f32
    %broadcast_in_dim3A_10 = vector.broadcast %broadcast_in_dim3A_9 : f32 to vector<1x64xf32>
    %slice3A = vector.extract_strided_slice %convert_element_type3A_3 {offsets = [0, 0], sizes = [128, 64], strides = [1, 1]} : vector<2048x64xf32> to vector<128x64xf32>
    %dot_general3A = arith.constant dense<0.000000e+00> : vector<1x64xf32>
    %dot_general3A_11 = tpu.matmul %broadcast_in_dim3A_8, %slice3A, %dot_general3A {dimension_numbers = #tpu.dot_dimension_numbers<[1], [0], [0], [1], [0, 0, 1, 1], [], []>, transpose_lhs_hint = false} : vector<1x128xf32>, vector<128x64xf32>, vector<1x64xf32> -> vector<1x64xf32>
    %add3A = arith.addf %broadcast_in_dim3A_10, %dot_general3A_11 : vector<1x64xf32>
    %slice3A_12 = vector.extract_strided_slice %convert_element_type3A_3 {offsets = [128, 0], sizes = [128, 64], strides = [1, 1]} : vector<2048x64xf32> to vector<128x64xf32>
    %dot_general3A_13 = arith.constant dense<0.000000e+00> : vector<1x64xf32>
    %dot_general3A_14 = tpu.matmul %broadcast_in_dim3A_8, %slice3A_12, %dot_general3A_13 {dimension_numbers = #tpu.dot_dimension_numbers<[1], [0], [0], [1], [0, 0, 1, 1], [], []>, transpose_lhs_hint = false} : vector<1x128xf32>, vector<128x64xf32>, vector<1x64xf32> -> vector<1x64xf32>
    %add3A_15 = arith.addf %add3A, %dot_general3A_14 : vector<1x64xf32>
    %slice3A_16 = vector.extract_strided_slice %convert_element_type3A_3 {offsets = [256, 0], sizes = [128, 64], strides = [1, 1]} : vector<2048x64xf32> to vector<128x64xf32>
    %dot_general3A_17 = arith.constant dense<0.000000e+00> : vector<1x64xf32>
    %dot_general3A_18 = tpu.matmul %broadcast_in_dim3A_8, %slice3A_16, %dot_general3A_17 {dimension_numbers = #tpu.dot_dimension_numbers<[1], [0], [0], [1], [0, 0, 1, 1], [], []>, transpose_lhs_hint = false} : vector<1x128xf32>, vector<128x64xf32>, vector<1x64xf32> -> vector<1x64xf32>
    %add3A_19 = arith.addf %add3A_15, %dot_general3A_18 : vector<1x64xf32>
    %slice3A_20 = vector.extract_strided_slice %convert_element_type3A_3 {offsets = [384, 0], sizes = [128, 64], strides = [1, 1]} : vector<2048x64xf32> to vector<128x64xf32>
    %dot_general3A_21 = arith.constant dense<0.000000e+00> : vector<1x64xf32>
    %dot_general3A_22 = tpu.matmul %broadcast_in_dim3A_8, %slice3A_20, %dot_general3A_21 {dimension_numbers = #tpu.dot_dimension_numbers<[1], [0], [0], [1], [0, 0, 1, 1], [], []>, transpose_lhs_hint = false} : vector<1x128xf32>, vector<128x64xf32>, vector<1x64xf32> -> vector<1x64xf32>
    %add3A_23 = arith.addf %add3A_19, %dot_general3A_22 : vector<1x64xf32>
    %slice3A_24 = vector.extract_strided_slice %convert_element_type3A_3 {offsets = [512, 0], sizes = [128, 64], strides = [1, 1]} : vector<2048x64xf32> to vector<128x64xf32>
    %dot_general3A_25 = arith.constant dense<0.000000e+00> : vector<1x64xf32>
    %dot_general3A_26 = tpu.matmul %broadcast_in_dim3A_8, %slice3A_24, %dot_general3A_25 {dimension_numbers = #tpu.dot_dimension_numbers<[1], [0], [0], [1], [0, 0, 1, 1], [], []>, transpose_lhs_hint = false} : vector<1x128xf32>, vector<128x64xf32>, vector<1x64xf32> -> vector<1x64xf32>
    %add3A_27 = arith.addf %add3A_23, %dot_general3A_26 : vector<1x64xf32>
    %slice3A_28 = vector.extract_strided_slice %convert_element_type3A_3 {offsets = [640, 0], sizes = [128, 64], strides = [1, 1]} : vector<2048x64xf32> to vector<128x64xf32>
    %dot_general3A_29 = arith.constant dense<0.000000e+00> : vector<1x64xf32>
    %dot_general3A_30 = tpu.matmul %broadcast_in_dim3A_8, %slice3A_28, %dot_general3A_29 {dimension_numbers = #tpu.dot_dimension_numbers<[1], [0], [0], [1], [0, 0, 1, 1], [], []>, transpose_lhs_hint = false} : vector<1x128xf32>, vector<128x64xf32>, vector<1x64xf32> -> vector<1x64xf32>
    %add3A_31 = arith.addf %add3A_27, %dot_general3A_30 : vector<1x64xf32>
    %slice3A_32 = vector.extract_strided_slice %convert_element_type3A_3 {offsets = [768, 0], sizes = [128, 64], strides = [1, 1]} : vector<2048x64xf32> to vector<128x64xf32>
    %dot_general3A_33 = arith.constant dense<0.000000e+00> : vector<1x64xf32>
    %dot_general3A_34 = tpu.matmul %broadcast_in_dim3A_8, %slice3A_32, %dot_general3A_33 {dimension_numbers = #tpu.dot_dimension_numbers<[1], [0], [0], [1], [0, 0, 1, 1], [], []>, transpose_lhs_hint = false} : vector<1x128xf32>, vector<128x64xf32>, vector<1x64xf32> -> vector<1x64xf32>
    %add3A_35 = arith.addf %add3A_31, %dot_general3A_34 : vector<1x64xf32>
    %slice3A_36 = vector.extract_strided_slice %convert_element_type3A_3 {offsets = [896, 0], sizes = [128, 64], strides = [1, 1]} : vector<2048x64xf32> to vector<128x64xf32>
    %dot_general3A_37 = arith.constant dense<0.000000e+00> : vector<1x64xf32>
    %dot_general3A_38 = tpu.matmul %broadcast_in_dim3A_8, %slice3A_36, %dot_general3A_37 {dimension_numbers = #tpu.dot_dimension_numbers<[1], [0], [0], [1], [0, 0, 1, 1], [], []>, transpose_lhs_hint = false} : vector<1x128xf32>, vector<128x64xf32>, vector<1x64xf32> -> vector<1x64xf32>
    %add3A_39 = arith.addf %add3A_35, %dot_general3A_38 : vector<1x64xf32>
    %slice3A_40 = vector.extract_strided_slice %convert_element_type3A_3 {offsets = [1024, 0], sizes = [128, 64], strides = [1, 1]} : vector<2048x64xf32> to vector<128x64xf32>
    %dot_general3A_41 = arith.constant dense<0.000000e+00> : vector<1x64xf32>
    %dot_general3A_42 = tpu.matmul %broadcast_in_dim3A_8, %slice3A_40, %dot_general3A_41 {dimension_numbers = #tpu.dot_dimension_numbers<[1], [0], [0], [1], [0, 0, 1, 1], [], []>, transpose_lhs_hint = false} : vector<1x128xf32>, vector<128x64xf32>, vector<1x64xf32> -> vector<1x64xf32>
    %add3A_43 = arith.addf %add3A_39, %dot_general3A_42 : vector<1x64xf32>
    %slice3A_44 = vector.extract_strided_slice %convert_element_type3A_3 {offsets = [1152, 0], sizes = [128, 64], strides = [1, 1]} : vector<2048x64xf32> to vector<128x64xf32>
    %dot_general3A_45 = arith.constant dense<0.000000e+00> : vector<1x64xf32>
    %dot_general3A_46 = tpu.matmul %broadcast_in_dim3A_8, %slice3A_44, %dot_general3A_45 {dimension_numbers = #tpu.dot_dimension_numbers<[1], [0], [0], [1], [0, 0, 1, 1], [], []>, transpose_lhs_hint = false} : vector<1x128xf32>, vector<128x64xf32>, vector<1x64xf32> -> vector<1x64xf32>
    %add3A_47 = arith.addf %add3A_43, %dot_general3A_46 : vector<1x64xf32>
    %slice3A_48 = vector.extract_strided_slice %convert_element_type3A_3 {offsets = [1280, 0], sizes = [128, 64], strides = [1, 1]} : vector<2048x64xf32> to vector<128x64xf32>
    %dot_general3A_49 = arith.constant dense<0.000000e+00> : vector<1x64xf32>
    %dot_general3A_50 = tpu.matmul %broadcast_in_dim3A_8, %slice3A_48, %dot_general3A_49 {dimension_numbers = #tpu.dot_dimension_numbers<[1], [0], [0], [1], [0, 0, 1, 1], [], []>, transpose_lhs_hint = false} : vector<1x128xf32>, vector<128x64xf32>, vector<1x64xf32> -> vector<1x64xf32>
    %add3A_51 = arith.addf %add3A_47, %dot_general3A_50 : vector<1x64xf32>
    %slice3A_52 = vector.extract_strided_slice %convert_element_type3A_3 {offsets = [1408, 0], sizes = [128, 64], strides = [1, 1]} : vector<2048x64xf32> to vector<128x64xf32>
    %dot_general3A_53 = arith.constant dense<0.000000e+00> : vector<1x64xf32>
    %dot_general3A_54 = tpu.matmul %broadcast_in_dim3A_8, %slice3A_52, %dot_general3A_53 {dimension_numbers = #tpu.dot_dimension_numbers<[1], [0], [0], [1], [0, 0, 1, 1], [], []>, transpose_lhs_hint = false} : vector<1x128xf32>, vector<128x64xf32>, vector<1x64xf32> -> vector<1x64xf32>
    %add3A_55 = arith.addf %add3A_51, %dot_general3A_54 : vector<1x64xf32>
    %slice3A_56 = vector.extract_strided_slice %convert_element_type3A_3 {offsets = [1536, 0], sizes = [128, 64], strides = [1, 1]} : vector<2048x64xf32> to vector<128x64xf32>
    %dot_general3A_57 = arith.constant dense<0.000000e+00> : vector<1x64xf32>
    %dot_general3A_58 = tpu.matmul %broadcast_in_dim3A_8, %slice3A_56, %dot_general3A_57 {dimension_numbers = #tpu.dot_dimension_numbers<[1], [0], [0], [1], [0, 0, 1, 1], [], []>, transpose_lhs_hint = false} : vector<1x128xf32>, vector<128x64xf32>, vector<1x64xf32> -> vector<1x64xf32>
    %add3A_59 = arith.addf %add3A_55, %dot_general3A_58 : vector<1x64xf32>
    %slice3A_60 = vector.extract_strided_slice %convert_element_type3A_3 {offsets = [1664, 0], sizes = [128, 64], strides = [1, 1]} : vector<2048x64xf32> to vector<128x64xf32>
    %dot_general3A_61 = arith.constant dense<0.000000e+00> : vector<1x64xf32>
    %dot_general3A_62 = tpu.matmul %broadcast_in_dim3A_8, %slice3A_60, %dot_general3A_61 {dimension_numbers = #tpu.dot_dimension_numbers<[1], [0], [0], [1], [0, 0, 1, 1], [], []>, transpose_lhs_hint = false} : vector<1x128xf32>, vector<128x64xf32>, vector<1x64xf32> -> vector<1x64xf32>
    %add3A_63 = arith.addf %add3A_59, %dot_general3A_62 : vector<1x64xf32>
    %slice3A_64 = vector.extract_strided_slice %convert_element_type3A_3 {offsets = [1792, 0], sizes = [128, 64], strides = [1, 1]} : vector<2048x64xf32> to vector<128x64xf32>
    %dot_general3A_65 = arith.constant dense<0.000000e+00> : vector<1x64xf32>
    %dot_general3A_66 = tpu.matmul %broadcast_in_dim3A_8, %slice3A_64, %dot_general3A_65 {dimension_numbers = #tpu.dot_dimension_numbers<[1], [0], [0], [1], [0, 0, 1, 1], [], []>, transpose_lhs_hint = false} : vector<1x128xf32>, vector<128x64xf32>, vector<1x64xf32> -> vector<1x64xf32>
    %add3A_67 = arith.addf %add3A_63, %dot_general3A_66 : vector<1x64xf32>
    %slice3A_68 = vector.extract_strided_slice %convert_element_type3A_3 {offsets = [1920, 0], sizes = [128, 64], strides = [1, 1]} : vector<2048x64xf32> to vector<128x64xf32>
    %dot_general3A_69 = arith.constant dense<0.000000e+00> : vector<1x64xf32>
    %dot_general3A_70 = tpu.matmul %broadcast_in_dim3A_8, %slice3A_68, %dot_general3A_69 {dimension_numbers = #tpu.dot_dimension_numbers<[1], [0], [0], [1], [0, 0, 1, 1], [], []>, transpose_lhs_hint = false} : vector<1x128xf32>, vector<128x64xf32>, vector<1x64xf32> -> vector<1x64xf32>
    %add3A_71 = arith.addf %add3A_67, %dot_general3A_70 : vector<1x64xf32>
    %iota3A_72 = tpu.iota {dimensions = array<i32: 0>} : vector<64x128xi32>
    %iota3A_73 = tpu.iota {dimensions = array<i32: 1>} : vector<64x128xi32>
    %lt3A = arith.cmpi slt, %iota3A_72, %iota3A_73 : vector<64x128xi32>
    %convert_element_type3A_74 = arith.extui %lt3A : vector<64x128xi1> to vector<64x128xi32>
    %convert_element_type3A_75 = arith.sitofp %convert_element_type3A_74 : vector<64x128xi32> to vector<64x128xf32>
    %dot_general3A_76 = arith.constant dense<0.000000e+00> : vector<1x128xf32>
    %dot_general3A_77 = tpu.matmul %add3A_71, %convert_element_type3A_75, %dot_general3A_76 {dimension_numbers = #tpu.dot_dimension_numbers<[1], [0], [0], [1], [0, 0, 1, 1], [], []>, transpose_lhs_hint = false} : vector<1x64xf32>, vector<64x128xf32>, vector<1x128xf32> -> vector<1x128xf32>
    %convert_element_type3A_78 = arith.fptosi %dot_general3A_77 : vector<1x128xf32> to vector<1x128xi32>
    %swap3A = arith.constant 0 : index
    %swap3A_79 = arith.constant 0 : index
    %swap3A_80 = vector.load %arg2[%swap3A, %swap3A_79] : memref<1x128xi32, #tpu.memory_space<vmem>>, vector<1x128xi32>
    tpu.vector_store %arg2[%swap3A, %swap3A_79], %convert_element_type3A_78 {strides = array<i32>} : memref<1x128xi32, #tpu.memory_space<vmem>>, vector<1x128xi32>,
    %slice3A_81 = vector.extract_strided_slice %dot_general3A_77 {offsets = [0, 0], sizes = [1, 64], strides = [1, 1]} : vector<1x128xf32> to vector<1x64xf32>
    %slice3A_82 = vector.extract_strided_slice %convert_element_type3A_3 {offsets = [0, 0], sizes = [128, 64], strides = [1, 1]} : vector<2048x64xf32> to vector<128x64xf32>
    %dot_general3A_83 = arith.constant dense<0.000000e+00> : vector<128x64xf32>
    %dot_general3A_84 = tpu.matmul %convert_element_type3A_7, %slice3A_82, %dot_general3A_83 {dimension_numbers = #tpu.dot_dimension_numbers<[1], [0], [0], [1], [0, 0, 1, 1], [], []>, transpose_lhs_hint = false} : vector<128x128xf32>, vector<128x64xf32>, vector<128x64xf32> -> vector<128x64xf32>
    %sub3A = arith.subf %dot_general3A_84, %slice3A_82 : vector<128x64xf32>
    %add3A_85 = vector.broadcast %broadcast_in_dim3A_10 : vector<1x64xf32> to vector<128x64xf32>
    %add3A_86 = arith.addf %sub3A, %add3A_85 : vector<128x64xf32>
    %add3A_87 = vector.broadcast %slice3A_81 : vector<1x64xf32> to vector<128x64xf32>
    %add3A_88 = arith.addf %add3A_86, %add3A_87 : vector<128x64xf32>
    %mul3A = arith.mulf %slice3A_82, %add3A_88 : vector<128x64xf32>
    %reduce_sum3A = arith.constant dense<0.000000e+00> : vector<128xf32>
    %reduce_sum3A_89 = vector.multi_reduction <add>, %mul3A, %reduce_sum3A [1] : vector<128x64xf32> to vector<128xf32>
    %broadcast_in_dim3A_90 = vector.shape_cast %reduce_sum3A_89 : vector<128xf32> to vector<128x1xf32>
    %convert_element_type3A_91 = arith.fptosi %broadcast_in_dim3A_90 : vector<128x1xf32> to vector<128x1xi32>
    %swap3A_92 = arith.constant 0 : index
    %swap3A_93 = arith.constant 0 : index
    %swap3A_94 = vector.load %arg1[%swap3A_92, %swap3A_93] : memref<2048x1xi32, #tpu.memory_space<vmem>>, vector<128x1xi32>
    tpu.vector_store %arg1[%swap3A_92, %swap3A_93], %convert_element_type3A_91 {strides = array<i32>} : memref<2048x1xi32, #tpu.memory_space<vmem>>, vector<128x1xi32>,
    %slice3A_95 = vector.extract_strided_slice %convert_element_type3A_3 {offsets = [128, 0], sizes = [128, 64], strides = [1, 1]} : vector<2048x64xf32> to vector<128x64xf32>
    %dot_general3A_96 = arith.constant dense<0.000000e+00> : vector<128x64xf32>
    %dot_general3A_97 = tpu.matmul %convert_element_type3A_7, %slice3A_95, %dot_general3A_96 {dimension_numbers = #tpu.dot_dimension_numbers<[1], [0], [0], [1], [0, 0, 1, 1], [], []>, transpose_lhs_hint = false} : vector<128x128xf32>, vector<128x64xf32>, vector<128x64xf32> -> vector<128x64xf32>
    %sub3A_98 = arith.subf %dot_general3A_97, %slice3A_95 : vector<128x64xf32>
    %add3A_99 = vector.broadcast %add3A : vector<1x64xf32> to vector<128x64xf32>
    %add3A_100 = arith.addf %sub3A_98, %add3A_99 : vector<128x64xf32>
    %add3A_101 = vector.broadcast %slice3A_81 : vector<1x64xf32> to vector<128x64xf32>
    %add3A_102 = arith.addf %add3A_100, %add3A_101 : vector<128x64xf32>
    %mul3A_103 = arith.mulf %slice3A_95, %add3A_102 : vector<128x64xf32>
    %reduce_sum3A_104 = arith.constant dense<0.000000e+00> : vector<128xf32>
    %reduce_sum3A_105 = vector.multi_reduction <add>, %mul3A_103, %reduce_sum3A_104 [1] : vector<128x64xf32> to vector<128xf32>
    %broadcast_in_dim3A_106 = vector.shape_cast %reduce_sum3A_105 : vector<128xf32> to vector<128x1xf32>
    %convert_element_type3A_107 = arith.fptosi %broadcast_in_dim3A_106 : vector<128x1xf32> to vector<128x1xi32>
    %swap3A_108 = arith.constant 128 : index
    %swap3A_109 = arith.constant 0 : index
    %swap3A_110 = vector.load %arg1[%swap3A_108, %swap3A_109] : memref<2048x1xi32, #tpu.memory_space<vmem>>, vector<128x1xi32>
    tpu.vector_store %arg1[%swap3A_108, %swap3A_109], %convert_element_type3A_107 {strides = array<i32>} : memref<2048x1xi32, #tpu.memory_space<vmem>>, vector<128x1xi32>,
    %slice3A_111 = vector.extract_strided_slice %convert_element_type3A_3 {offsets = [256, 0], sizes = [128, 64], strides = [1, 1]} : vector<2048x64xf32> to vector<128x64xf32>
    %dot_general3A_112 = arith.constant dense<0.000000e+00> : vector<128x64xf32>
    %dot_general3A_113 = tpu.matmul %convert_element_type3A_7, %slice3A_111, %dot_general3A_112 {dimension_numbers = #tpu.dot_dimension_numbers<[1], [0], [0], [1], [0, 0, 1, 1], [], []>, transpose_lhs_hint = false} : vector<128x128xf32>, vector<128x64xf32>, vector<128x64xf32> -> vector<128x64xf32>
    %sub3A_114 = arith.subf %dot_general3A_113, %slice3A_111 : vector<128x64xf32>
    %add3A_115 = vector.broadcast %add3A_15 : vector<1x64xf32> to vector<128x64xf32>
    %add3A_116 = arith.addf %sub3A_114, %add3A_115 : vector<128x64xf32>
    %add3A_117 = vector.broadcast %slice3A_81 : vector<1x64xf32> to vector<128x64xf32>
    %add3A_118 = arith.addf %add3A_116, %add3A_117 : vector<128x64xf32>
    %mul3A_119 = arith.mulf %slice3A_111, %add3A_118 : vector<128x64xf32>
    %reduce_sum3A_120 = arith.constant dense<0.000000e+00> : vector<128xf32>
    %reduce_sum3A_121 = vector.multi_reduction <add>, %mul3A_119, %reduce_sum3A_120 [1] : vector<128x64xf32> to vector<128xf32>
    %broadcast_in_dim3A_122 = vector.shape_cast %reduce_sum3A_121 : vector<128xf32> to vector<128x1xf32>
    %convert_element_type3A_123 = arith.fptosi %broadcast_in_dim3A_122 : vector<128x1xf32> to vector<128x1xi32>
    %swap3A_124 = arith.constant 256 : index
    %swap3A_125 = arith.constant 0 : index
    %swap3A_126 = vector.load %arg1[%swap3A_124, %swap3A_125] : memref<2048x1xi32, #tpu.memory_space<vmem>>, vector<128x1xi32>
    tpu.vector_store %arg1[%swap3A_124, %swap3A_125], %convert_element_type3A_123 {strides = array<i32>} : memref<2048x1xi32, #tpu.memory_space<vmem>>, vector<128x1xi32>,
    %slice3A_127 = vector.extract_strided_slice %convert_element_type3A_3 {offsets = [384, 0], sizes = [128, 64], strides = [1, 1]} : vector<2048x64xf32> to vector<128x64xf32>
    %dot_general3A_128 = arith.constant dense<0.000000e+00> : vector<128x64xf32>
    %dot_general3A_129 = tpu.matmul %convert_element_type3A_7, %slice3A_127, %dot_general3A_128 {dimension_numbers = #tpu.dot_dimension_numbers<[1], [0], [0], [1], [0, 0, 1, 1], [], []>, transpose_lhs_hint = false} : vector<128x128xf32>, vector<128x64xf32>, vector<128x64xf32> -> vector<128x64xf32>
    %sub3A_130 = arith.subf %dot_general3A_129, %slice3A_127 : vector<128x64xf32>
    %add3A_131 = vector.broadcast %add3A_19 : vector<1x64xf32> to vector<128x64xf32>
    %add3A_132 = arith.addf %sub3A_130, %add3A_131 : vector<128x64xf32>
    %add3A_133 = vector.broadcast %slice3A_81 : vector<1x64xf32> to vector<128x64xf32>
    %add3A_134 = arith.addf %add3A_132, %add3A_133 : vector<128x64xf32>
    %mul3A_135 = arith.mulf %slice3A_127, %add3A_134 : vector<128x64xf32>
    %reduce_sum3A_136 = arith.constant dense<0.000000e+00> : vector<128xf32>
    %reduce_sum3A_137 = vector.multi_reduction <add>, %mul3A_135, %reduce_sum3A_136 [1] : vector<128x64xf32> to vector<128xf32>
    %broadcast_in_dim3A_138 = vector.shape_cast %reduce_sum3A_137 : vector<128xf32> to vector<128x1xf32>
    %convert_element_type3A_139 = arith.fptosi %broadcast_in_dim3A_138 : vector<128x1xf32> to vector<128x1xi32>
    %swap3A_140 = arith.constant 384 : index
    %swap3A_141 = arith.constant 0 : index
    %swap3A_142 = vector.load %arg1[%swap3A_140, %swap3A_141] : memref<2048x1xi32, #tpu.memory_space<vmem>>, vector<128x1xi32>
    tpu.vector_store %arg1[%swap3A_140, %swap3A_141], %convert_element_type3A_139 {strides = array<i32>} : memref<2048x1xi32, #tpu.memory_space<vmem>>, vector<128x1xi32>,
    %slice3A_143 = vector.extract_strided_slice %convert_element_type3A_3 {offsets = [512, 0], sizes = [128, 64], strides = [1, 1]} : vector<2048x64xf32> to vector<128x64xf32>
    %dot_general3A_144 = arith.constant dense<0.000000e+00> : vector<128x64xf32>
    %dot_general3A_145 = tpu.matmul %convert_element_type3A_7, %slice3A_143, %dot_general3A_144 {dimension_numbers = #tpu.dot_dimension_numbers<[1], [0], [0], [1], [0, 0, 1, 1], [], []>, transpose_lhs_hint = false} : vector<128x128xf32>, vector<128x64xf32>, vector<128x64xf32> -> vector<128x64xf32>
    %sub3A_146 = arith.subf %dot_general3A_145, %slice3A_143 : vector<128x64xf32>
    %add3A_147 = vector.broadcast %add3A_23 : vector<1x64xf32> to vector<128x64xf32>
    %add3A_148 = arith.addf %sub3A_146, %add3A_147 : vector<128x64xf32>
    %add3A_149 = vector.broadcast %slice3A_81 : vector<1x64xf32> to vector<128x64xf32>
    %add3A_150 = arith.addf %add3A_148, %add3A_149 : vector<128x64xf32>
    %mul3A_151 = arith.mulf %slice3A_143, %add3A_150 : vector<128x64xf32>
    %reduce_sum3A_152 = arith.constant dense<0.000000e+00> : vector<128xf32>
    %reduce_sum3A_153 = vector.multi_reduction <add>, %mul3A_151, %reduce_sum3A_152 [1] : vector<128x64xf32> to vector<128xf32>
    %broadcast_in_dim3A_154 = vector.shape_cast %reduce_sum3A_153 : vector<128xf32> to vector<128x1xf32>
    %convert_element_type3A_155 = arith.fptosi %broadcast_in_dim3A_154 : vector<128x1xf32> to vector<128x1xi32>
    %swap3A_156 = arith.constant 512 : index
    %swap3A_157 = arith.constant 0 : index
    %swap3A_158 = vector.load %arg1[%swap3A_156, %swap3A_157] : memref<2048x1xi32, #tpu.memory_space<vmem>>, vector<128x1xi32>
    tpu.vector_store %arg1[%swap3A_156, %swap3A_157], %convert_element_type3A_155 {strides = array<i32>} : memref<2048x1xi32, #tpu.memory_space<vmem>>, vector<128x1xi32>,
    %slice3A_159 = vector.extract_strided_slice %convert_element_type3A_3 {offsets = [640, 0], sizes = [128, 64], strides = [1, 1]} : vector<2048x64xf32> to vector<128x64xf32>
    %dot_general3A_160 = arith.constant dense<0.000000e+00> : vector<128x64xf32>
    %dot_general3A_161 = tpu.matmul %convert_element_type3A_7, %slice3A_159, %dot_general3A_160 {dimension_numbers = #tpu.dot_dimension_numbers<[1], [0], [0], [1], [0, 0, 1, 1], [], []>, transpose_lhs_hint = false} : vector<128x128xf32>, vector<128x64xf32>, vector<128x64xf32> -> vector<128x64xf32>
    %sub3A_162 = arith.subf %dot_general3A_161, %slice3A_159 : vector<128x64xf32>
    %add3A_163 = vector.broadcast %add3A_27 : vector<1x64xf32> to vector<128x64xf32>
    %add3A_164 = arith.addf %sub3A_162, %add3A_163 : vector<128x64xf32>
    %add3A_165 = vector.broadcast %slice3A_81 : vector<1x64xf32> to vector<128x64xf32>
    %add3A_166 = arith.addf %add3A_164, %add3A_165 : vector<128x64xf32>
    %mul3A_167 = arith.mulf %slice3A_159, %add3A_166 : vector<128x64xf32>
    %reduce_sum3A_168 = arith.constant dense<0.000000e+00> : vector<128xf32>
    %reduce_sum3A_169 = vector.multi_reduction <add>, %mul3A_167, %reduce_sum3A_168 [1] : vector<128x64xf32> to vector<128xf32>
    %broadcast_in_dim3A_170 = vector.shape_cast %reduce_sum3A_169 : vector<128xf32> to vector<128x1xf32>
    %convert_element_type3A_171 = arith.fptosi %broadcast_in_dim3A_170 : vector<128x1xf32> to vector<128x1xi32>
    %swap3A_172 = arith.constant 640 : index
    %swap3A_173 = arith.constant 0 : index
    %swap3A_174 = vector.load %arg1[%swap3A_172, %swap3A_173] : memref<2048x1xi32, #tpu.memory_space<vmem>>, vector<128x1xi32>
    tpu.vector_store %arg1[%swap3A_172, %swap3A_173], %convert_element_type3A_171 {strides = array<i32>} : memref<2048x1xi32, #tpu.memory_space<vmem>>, vector<128x1xi32>,
    %slice3A_175 = vector.extract_strided_slice %convert_element_type3A_3 {offsets = [768, 0], sizes = [128, 64], strides = [1, 1]} : vector<2048x64xf32> to vector<128x64xf32>
    %dot_general3A_176 = arith.constant dense<0.000000e+00> : vector<128x64xf32>
    %dot_general3A_177 = tpu.matmul %convert_element_type3A_7, %slice3A_175, %dot_general3A_176 {dimension_numbers = #tpu.dot_dimension_numbers<[1], [0], [0], [1], [0, 0, 1, 1], [], []>, transpose_lhs_hint = false} : vector<128x128xf32>, vector<128x64xf32>, vector<128x64xf32> -> vector<128x64xf32>
    %sub3A_178 = arith.subf %dot_general3A_177, %slice3A_175 : vector<128x64xf32>
    %add3A_179 = vector.broadcast %add3A_31 : vector<1x64xf32> to vector<128x64xf32>
    %add3A_180 = arith.addf %sub3A_178, %add3A_179 : vector<128x64xf32>
    %add3A_181 = vector.broadcast %slice3A_81 : vector<1x64xf32> to vector<128x64xf32>
    %add3A_182 = arith.addf %add3A_180, %add3A_181 : vector<128x64xf32>
    %mul3A_183 = arith.mulf %slice3A_175, %add3A_182 : vector<128x64xf32>
    %reduce_sum3A_184 = arith.constant dense<0.000000e+00> : vector<128xf32>
    %reduce_sum3A_185 = vector.multi_reduction <add>, %mul3A_183, %reduce_sum3A_184 [1] : vector<128x64xf32> to vector<128xf32>
    %broadcast_in_dim3A_186 = vector.shape_cast %reduce_sum3A_185 : vector<128xf32> to vector<128x1xf32>
    %convert_element_type3A_187 = arith.fptosi %broadcast_in_dim3A_186 : vector<128x1xf32> to vector<128x1xi32>
    %swap3A_188 = arith.constant 768 : index
    %swap3A_189 = arith.constant 0 : index
    %swap3A_190 = vector.load %arg1[%swap3A_188, %swap3A_189] : memref<2048x1xi32, #tpu.memory_space<vmem>>, vector<128x1xi32>
    tpu.vector_store %arg1[%swap3A_188, %swap3A_189], %convert_element_type3A_187 {strides = array<i32>} : memref<2048x1xi32, #tpu.memory_space<vmem>>, vector<128x1xi32>,
    %slice3A_191 = vector.extract_strided_slice %convert_element_type3A_3 {offsets = [896, 0], sizes = [128, 64], strides = [1, 1]} : vector<2048x64xf32> to vector<128x64xf32>
    %dot_general3A_192 = arith.constant dense<0.000000e+00> : vector<128x64xf32>
    %dot_general3A_193 = tpu.matmul %convert_element_type3A_7, %slice3A_191, %dot_general3A_192 {dimension_numbers = #tpu.dot_dimension_numbers<[1], [0], [0], [1], [0, 0, 1, 1], [], []>, transpose_lhs_hint = false} : vector<128x128xf32>, vector<128x64xf32>, vector<128x64xf32> -> vector<128x64xf32>
    %sub3A_194 = arith.subf %dot_general3A_193, %slice3A_191 : vector<128x64xf32>
    %add3A_195 = vector.broadcast %add3A_35 : vector<1x64xf32> to vector<128x64xf32>
    %add3A_196 = arith.addf %sub3A_194, %add3A_195 : vector<128x64xf32>
    %add3A_197 = vector.broadcast %slice3A_81 : vector<1x64xf32> to vector<128x64xf32>
    %add3A_198 = arith.addf %add3A_196, %add3A_197 : vector<128x64xf32>
    %mul3A_199 = arith.mulf %slice3A_191, %add3A_198 : vector<128x64xf32>
    %reduce_sum3A_200 = arith.constant dense<0.000000e+00> : vector<128xf32>
    %reduce_sum3A_201 = vector.multi_reduction <add>, %mul3A_199, %reduce_sum3A_200 [1] : vector<128x64xf32> to vector<128xf32>
    %broadcast_in_dim3A_202 = vector.shape_cast %reduce_sum3A_201 : vector<128xf32> to vector<128x1xf32>
    %convert_element_type3A_203 = arith.fptosi %broadcast_in_dim3A_202 : vector<128x1xf32> to vector<128x1xi32>
    %swap3A_204 = arith.constant 896 : index
    %swap3A_205 = arith.constant 0 : index
    %swap3A_206 = vector.load %arg1[%swap3A_204, %swap3A_205] : memref<2048x1xi32, #tpu.memory_space<vmem>>, vector<128x1xi32>
    tpu.vector_store %arg1[%swap3A_204, %swap3A_205], %convert_element_type3A_203 {strides = array<i32>} : memref<2048x1xi32, #tpu.memory_space<vmem>>, vector<128x1xi32>,
    %slice3A_207 = vector.extract_strided_slice %convert_element_type3A_3 {offsets = [1024, 0], sizes = [128, 64], strides = [1, 1]} : vector<2048x64xf32> to vector<128x64xf32>
    %dot_general3A_208 = arith.constant dense<0.000000e+00> : vector<128x64xf32>
    %dot_general3A_209 = tpu.matmul %convert_element_type3A_7, %slice3A_207, %dot_general3A_208 {dimension_numbers = #tpu.dot_dimension_numbers<[1], [0], [0], [1], [0, 0, 1, 1], [], []>, transpose_lhs_hint = false} : vector<128x128xf32>, vector<128x64xf32>, vector<128x64xf32> -> vector<128x64xf32>
    %sub3A_210 = arith.subf %dot_general3A_209, %slice3A_207 : vector<128x64xf32>
    %add3A_211 = vector.broadcast %add3A_39 : vector<1x64xf32> to vector<128x64xf32>
    %add3A_212 = arith.addf %sub3A_210, %add3A_211 : vector<128x64xf32>
    %add3A_213 = vector.broadcast %slice3A_81 : vector<1x64xf32> to vector<128x64xf32>
    %add3A_214 = arith.addf %add3A_212, %add3A_213 : vector<128x64xf32>
    %mul3A_215 = arith.mulf %slice3A_207, %add3A_214 : vector<128x64xf32>
    %reduce_sum3A_216 = arith.constant dense<0.000000e+00> : vector<128xf32>
    %reduce_sum3A_217 = vector.multi_reduction <add>, %mul3A_215, %reduce_sum3A_216 [1] : vector<128x64xf32> to vector<128xf32>
    %broadcast_in_dim3A_218 = vector.shape_cast %reduce_sum3A_217 : vector<128xf32> to vector<128x1xf32>
    %convert_element_type3A_219 = arith.fptosi %broadcast_in_dim3A_218 : vector<128x1xf32> to vector<128x1xi32>
    %swap3A_220 = arith.constant 1024 : index
    %swap3A_221 = arith.constant 0 : index
    %swap3A_222 = vector.load %arg1[%swap3A_220, %swap3A_221] : memref<2048x1xi32, #tpu.memory_space<vmem>>, vector<128x1xi32>
    tpu.vector_store %arg1[%swap3A_220, %swap3A_221], %convert_element_type3A_219 {strides = array<i32>} : memref<2048x1xi32, #tpu.memory_space<vmem>>, vector<128x1xi32>,
    %slice3A_223 = vector.extract_strided_slice %convert_element_type3A_3 {offsets = [1152, 0], sizes = [128, 64], strides = [1, 1]} : vector<2048x64xf32> to vector<128x64xf32>
    %dot_general3A_224 = arith.constant dense<0.000000e+00> : vector<128x64xf32>
    %dot_general3A_225 = tpu.matmul %convert_element_type3A_7, %slice3A_223, %dot_general3A_224 {dimension_numbers = #tpu.dot_dimension_numbers<[1], [0], [0], [1], [0, 0, 1, 1], [], []>, transpose_lhs_hint = false} : vector<128x128xf32>, vector<128x64xf32>, vector<128x64xf32> -> vector<128x64xf32>
    %sub3A_226 = arith.subf %dot_general3A_225, %slice3A_223 : vector<128x64xf32>
    %add3A_227 = vector.broadcast %add3A_43 : vector<1x64xf32> to vector<128x64xf32>
    %add3A_228 = arith.addf %sub3A_226, %add3A_227 : vector<128x64xf32>
    %add3A_229 = vector.broadcast %slice3A_81 : vector<1x64xf32> to vector<128x64xf32>
    %add3A_230 = arith.addf %add3A_228, %add3A_229 : vector<128x64xf32>
    %mul3A_231 = arith.mulf %slice3A_223, %add3A_230 : vector<128x64xf32>
    %reduce_sum3A_232 = arith.constant dense<0.000000e+00> : vector<128xf32>
    %reduce_sum3A_233 = vector.multi_reduction <add>, %mul3A_231, %reduce_sum3A_232 [1] : vector<128x64xf32> to vector<128xf32>
    %broadcast_in_dim3A_234 = vector.shape_cast %reduce_sum3A_233 : vector<128xf32> to vector<128x1xf32>
    %convert_element_type3A_235 = arith.fptosi %broadcast_in_dim3A_234 : vector<128x1xf32> to vector<128x1xi32>
    %swap3A_236 = arith.constant 1152 : index
    %swap3A_237 = arith.constant 0 : index
    %swap3A_238 = vector.load %arg1[%swap3A_236, %swap3A_237] : memref<2048x1xi32, #tpu.memory_space<vmem>>, vector<128x1xi32>
    tpu.vector_store %arg1[%swap3A_236, %swap3A_237], %convert_element_type3A_235 {strides = array<i32>} : memref<2048x1xi32, #tpu.memory_space<vmem>>, vector<128x1xi32>,
    %slice3A_239 = vector.extract_strided_slice %convert_element_type3A_3 {offsets = [1280, 0], sizes = [128, 64], strides = [1, 1]} : vector<2048x64xf32> to vector<128x64xf32>
    %dot_general3A_240 = arith.constant dense<0.000000e+00> : vector<128x64xf32>
    %dot_general3A_241 = tpu.matmul %convert_element_type3A_7, %slice3A_239, %dot_general3A_240 {dimension_numbers = #tpu.dot_dimension_numbers<[1], [0], [0], [1], [0, 0, 1, 1], [], []>, transpose_lhs_hint = false} : vector<128x128xf32>, vector<128x64xf32>, vector<128x64xf32> -> vector<128x64xf32>
    %sub3A_242 = arith.subf %dot_general3A_241, %slice3A_239 : vector<128x64xf32>
    %add3A_243 = vector.broadcast %add3A_47 : vector<1x64xf32> to vector<128x64xf32>
    %add3A_244 = arith.addf %sub3A_242, %add3A_243 : vector<128x64xf32>
    %add3A_245 = vector.broadcast %slice3A_81 : vector<1x64xf32> to vector<128x64xf32>
    %add3A_246 = arith.addf %add3A_244, %add3A_245 : vector<128x64xf32>
    %mul3A_247 = arith.mulf %slice3A_239, %add3A_246 : vector<128x64xf32>
    %reduce_sum3A_248 = arith.constant dense<0.000000e+00> : vector<128xf32>
    %reduce_sum3A_249 = vector.multi_reduction <add>, %mul3A_247, %reduce_sum3A_248 [1] : vector<128x64xf32> to vector<128xf32>
    %broadcast_in_dim3A_250 = vector.shape_cast %reduce_sum3A_249 : vector<128xf32> to vector<128x1xf32>
    %convert_element_type3A_251 = arith.fptosi %broadcast_in_dim3A_250 : vector<128x1xf32> to vector<128x1xi32>
    %swap3A_252 = arith.constant 1280 : index
    %swap3A_253 = arith.constant 0 : index
    %swap3A_254 = vector.load %arg1[%swap3A_252, %swap3A_253] : memref<2048x1xi32, #tpu.memory_space<vmem>>, vector<128x1xi32>
    tpu.vector_store %arg1[%swap3A_252, %swap3A_253], %convert_element_type3A_251 {strides = array<i32>} : memref<2048x1xi32, #tpu.memory_space<vmem>>, vector<128x1xi32>,
    %slice3A_255 = vector.extract_strided_slice %convert_element_type3A_3 {offsets = [1408, 0], sizes = [128, 64], strides = [1, 1]} : vector<2048x64xf32> to vector<128x64xf32>
    %dot_general3A_256 = arith.constant dense<0.000000e+00> : vector<128x64xf32>
    %dot_general3A_257 = tpu.matmul %convert_element_type3A_7, %slice3A_255, %dot_general3A_256 {dimension_numbers = #tpu.dot_dimension_numbers<[1], [0], [0], [1], [0, 0, 1, 1], [], []>, transpose_lhs_hint = false} : vector<128x128xf32>, vector<128x64xf32>, vector<128x64xf32> -> vector<128x64xf32>
    %sub3A_258 = arith.subf %dot_general3A_257, %slice3A_255 : vector<128x64xf32>
    %add3A_259 = vector.broadcast %add3A_51 : vector<1x64xf32> to vector<128x64xf32>
    %add3A_260 = arith.addf %sub3A_258, %add3A_259 : vector<128x64xf32>
    %add3A_261 = vector.broadcast %slice3A_81 : vector<1x64xf32> to vector<128x64xf32>
    %add3A_262 = arith.addf %add3A_260, %add3A_261 : vector<128x64xf32>
    %mul3A_263 = arith.mulf %slice3A_255, %add3A_262 : vector<128x64xf32>
    %reduce_sum3A_264 = arith.constant dense<0.000000e+00> : vector<128xf32>
    %reduce_sum3A_265 = vector.multi_reduction <add>, %mul3A_263, %reduce_sum3A_264 [1] : vector<128x64xf32> to vector<128xf32>
    %broadcast_in_dim3A_266 = vector.shape_cast %reduce_sum3A_265 : vector<128xf32> to vector<128x1xf32>
    %convert_element_type3A_267 = arith.fptosi %broadcast_in_dim3A_266 : vector<128x1xf32> to vector<128x1xi32>
    %swap3A_268 = arith.constant 1408 : index
    %swap3A_269 = arith.constant 0 : index
    %swap3A_270 = vector.load %arg1[%swap3A_268, %swap3A_269] : memref<2048x1xi32, #tpu.memory_space<vmem>>, vector<128x1xi32>
    tpu.vector_store %arg1[%swap3A_268, %swap3A_269], %convert_element_type3A_267 {strides = array<i32>} : memref<2048x1xi32, #tpu.memory_space<vmem>>, vector<128x1xi32>,
    %slice3A_271 = vector.extract_strided_slice %convert_element_type3A_3 {offsets = [1536, 0], sizes = [128, 64], strides = [1, 1]} : vector<2048x64xf32> to vector<128x64xf32>
    %dot_general3A_272 = arith.constant dense<0.000000e+00> : vector<128x64xf32>
    %dot_general3A_273 = tpu.matmul %convert_element_type3A_7, %slice3A_271, %dot_general3A_272 {dimension_numbers = #tpu.dot_dimension_numbers<[1], [0], [0], [1], [0, 0, 1, 1], [], []>, transpose_lhs_hint = false} : vector<128x128xf32>, vector<128x64xf32>, vector<128x64xf32> -> vector<128x64xf32>
    %sub3A_274 = arith.subf %dot_general3A_273, %slice3A_271 : vector<128x64xf32>
    %add3A_275 = vector.broadcast %add3A_55 : vector<1x64xf32> to vector<128x64xf32>
    %add3A_276 = arith.addf %sub3A_274, %add3A_275 : vector<128x64xf32>
    %add3A_277 = vector.broadcast %slice3A_81 : vector<1x64xf32> to vector<128x64xf32>
    %add3A_278 = arith.addf %add3A_276, %add3A_277 : vector<128x64xf32>
    %mul3A_279 = arith.mulf %slice3A_271, %add3A_278 : vector<128x64xf32>
    %reduce_sum3A_280 = arith.constant dense<0.000000e+00> : vector<128xf32>
    %reduce_sum3A_281 = vector.multi_reduction <add>, %mul3A_279, %reduce_sum3A_280 [1] : vector<128x64xf32> to vector<128xf32>
    %broadcast_in_dim3A_282 = vector.shape_cast %reduce_sum3A_281 : vector<128xf32> to vector<128x1xf32>
    %convert_element_type3A_283 = arith.fptosi %broadcast_in_dim3A_282 : vector<128x1xf32> to vector<128x1xi32>
    %swap3A_284 = arith.constant 1536 : index
    %swap3A_285 = arith.constant 0 : index
    %swap3A_286 = vector.load %arg1[%swap3A_284, %swap3A_285] : memref<2048x1xi32, #tpu.memory_space<vmem>>, vector<128x1xi32>
    tpu.vector_store %arg1[%swap3A_284, %swap3A_285], %convert_element_type3A_283 {strides = array<i32>} : memref<2048x1xi32, #tpu.memory_space<vmem>>, vector<128x1xi32>,
    %slice3A_287 = vector.extract_strided_slice %convert_element_type3A_3 {offsets = [1664, 0], sizes = [128, 64], strides = [1, 1]} : vector<2048x64xf32> to vector<128x64xf32>
    %dot_general3A_288 = arith.constant dense<0.000000e+00> : vector<128x64xf32>
    %dot_general3A_289 = tpu.matmul %convert_element_type3A_7, %slice3A_287, %dot_general3A_288 {dimension_numbers = #tpu.dot_dimension_numbers<[1], [0], [0], [1], [0, 0, 1, 1], [], []>, transpose_lhs_hint = false} : vector<128x128xf32>, vector<128x64xf32>, vector<128x64xf32> -> vector<128x64xf32>
    %sub3A_290 = arith.subf %dot_general3A_289, %slice3A_287 : vector<128x64xf32>
    %add3A_291 = vector.broadcast %add3A_59 : vector<1x64xf32> to vector<128x64xf32>
    %add3A_292 = arith.addf %sub3A_290, %add3A_291 : vector<128x64xf32>
    %add3A_293 = vector.broadcast %slice3A_81 : vector<1x64xf32> to vector<128x64xf32>
    %add3A_294 = arith.addf %add3A_292, %add3A_293 : vector<128x64xf32>
    %mul3A_295 = arith.mulf %slice3A_287, %add3A_294 : vector<128x64xf32>
    %reduce_sum3A_296 = arith.constant dense<0.000000e+00> : vector<128xf32>
    %reduce_sum3A_297 = vector.multi_reduction <add>, %mul3A_295, %reduce_sum3A_296 [1] : vector<128x64xf32> to vector<128xf32>
    %broadcast_in_dim3A_298 = vector.shape_cast %reduce_sum3A_297 : vector<128xf32> to vector<128x1xf32>
    %convert_element_type3A_299 = arith.fptosi %broadcast_in_dim3A_298 : vector<128x1xf32> to vector<128x1xi32>
    %swap3A_300 = arith.constant 1664 : index
    %swap3A_301 = arith.constant 0 : index
    %swap3A_302 = vector.load %arg1[%swap3A_300, %swap3A_301] : memref<2048x1xi32, #tpu.memory_space<vmem>>, vector<128x1xi32>
    tpu.vector_store %arg1[%swap3A_300, %swap3A_301], %convert_element_type3A_299 {strides = array<i32>} : memref<2048x1xi32, #tpu.memory_space<vmem>>, vector<128x1xi32>,
    %slice3A_303 = vector.extract_strided_slice %convert_element_type3A_3 {offsets = [1792, 0], sizes = [128, 64], strides = [1, 1]} : vector<2048x64xf32> to vector<128x64xf32>
    %dot_general3A_304 = arith.constant dense<0.000000e+00> : vector<128x64xf32>
    %dot_general3A_305 = tpu.matmul %convert_element_type3A_7, %slice3A_303, %dot_general3A_304 {dimension_numbers = #tpu.dot_dimension_numbers<[1], [0], [0], [1], [0, 0, 1, 1], [], []>, transpose_lhs_hint = false} : vector<128x128xf32>, vector<128x64xf32>, vector<128x64xf32> -> vector<128x64xf32>
    %sub3A_306 = arith.subf %dot_general3A_305, %slice3A_303 : vector<128x64xf32>
    %add3A_307 = vector.broadcast %add3A_63 : vector<1x64xf32> to vector<128x64xf32>
    %add3A_308 = arith.addf %sub3A_306, %add3A_307 : vector<128x64xf32>
    %add3A_309 = vector.broadcast %slice3A_81 : vector<1x64xf32> to vector<128x64xf32>
    %add3A_310 = arith.addf %add3A_308, %add3A_309 : vector<128x64xf32>
    %mul3A_311 = arith.mulf %slice3A_303, %add3A_310 : vector<128x64xf32>
    %reduce_sum3A_312 = arith.constant dense<0.000000e+00> : vector<128xf32>
    %reduce_sum3A_313 = vector.multi_reduction <add>, %mul3A_311, %reduce_sum3A_312 [1] : vector<128x64xf32> to vector<128xf32>
    %broadcast_in_dim3A_314 = vector.shape_cast %reduce_sum3A_313 : vector<128xf32> to vector<128x1xf32>
    %convert_element_type3A_315 = arith.fptosi %broadcast_in_dim3A_314 : vector<128x1xf32> to vector<128x1xi32>
    %swap3A_316 = arith.constant 1792 : index
    %swap3A_317 = arith.constant 0 : index
    %swap3A_318 = vector.load %arg1[%swap3A_316, %swap3A_317] : memref<2048x1xi32, #tpu.memory_space<vmem>>, vector<128x1xi32>
    tpu.vector_store %arg1[%swap3A_316, %swap3A_317], %convert_element_type3A_315 {strides = array<i32>} : memref<2048x1xi32, #tpu.memory_space<vmem>>, vector<128x1xi32>,
    %slice3A_319 = vector.extract_strided_slice %convert_element_type3A_3 {offsets = [1920, 0], sizes = [128, 64], strides = [1, 1]} : vector<2048x64xf32> to vector<128x64xf32>
    %dot_general3A_320 = arith.constant dense<0.000000e+00> : vector<128x64xf32>
    %dot_general3A_321 = tpu.matmul %convert_element_type3A_7, %slice3A_319, %dot_general3A_320 {dimension_numbers = #tpu.dot_dimension_numbers<[1], [0], [0], [1], [0, 0, 1, 1], [], []>, transpose_lhs_hint = false} : vector<128x128xf32>, vector<128x64xf32>, vector<128x64xf32> -> vector<128x64xf32>
    %sub3A_322 = arith.subf %dot_general3A_321, %slice3A_319 : vector<128x64xf32>
    %add3A_323 = vector.broadcast %add3A_67 : vector<1x64xf32> to vector<128x64xf32>
    %add3A_324 = arith.addf %sub3A_322, %add3A_323 : vector<128x64xf32>
    %add3A_325 = vector.broadcast %slice3A_81 : vector<1x64xf32> to vector<128x64xf32>
    %add3A_326 = arith.addf %add3A_324, %add3A_325 : vector<128x64xf32>
    %mul3A_327 = arith.mulf %slice3A_319, %add3A_326 : vector<128x64xf32>
    %reduce_sum3A_328 = arith.constant dense<0.000000e+00> : vector<128xf32>
    %reduce_sum3A_329 = vector.multi_reduction <add>, %mul3A_327, %reduce_sum3A_328 [1] : vector<128x64xf32> to vector<128xf32>
    %broadcast_in_dim3A_330 = vector.shape_cast %reduce_sum3A_329 : vector<128xf32> to vector<128x1xf32>
    %convert_element_type3A_331 = arith.fptosi %broadcast_in_dim3A_330 : vector<128x1xf32> to vector<128x1xi32>
    %swap3A_332 = arith.constant 1920 : index
    %swap3A_333 = arith.constant 0 : index
    %swap3A_334 = vector.load %arg1[%swap3A_332, %swap3A_333] : memref<2048x1xi32, #tpu.memory_space<vmem>>, vector<128x1xi32>
    tpu.vector_store %arg1[%swap3A_332, %swap3A_333], %convert_element_type3A_331 {strides = array<i32>} : memref<2048x1xi32, #tpu.memory_space<vmem>>, vector<128x1xi32>,
    return
  }
}

module attributes {stable_mosaic.version = 14 : i64} {
  func.func @_mlp_expert_kernel(%arg0: i32, %arg1: memref<128xi32, #tpu.memory_space<smem>>, %arg2: memref<2176x768xf32, #tpu.memory_space<vmem>>, %arg3: memref<64x1024x768xf32, #tpu.memory_space<any>>, %arg4: memref<64x768x1024xf32, #tpu.memory_space<any>>, %arg5: memref<1x1x768xf32, #tpu.memory_space<vmem>>, %arg6: memref<2176x768xf32, #tpu.memory_space<vmem>>, %arg7: memref<3x1024x768xf32, #tpu.memory_space<vmem>>, %arg8: memref<3x768x1024xf32, #tpu.memory_space<vmem>>, %arg9: memref<3x!tpu.dma_semaphore, #tpu.memory_space<semaphore_mem>>, %arg10: memref<3x!tpu.dma_semaphore, #tpu.memory_space<semaphore_mem>>) attributes {dimension_semantics = [#tpu.dimension_semantics<arbitrary>], iteration_bounds = array<i64: 64>, scalar_prefetch = 1 : i64, scratch_operands = 4 : i64, tpu.core_type = #tpu.core_type<tc>, window_params = [{pipeline_mode = #tpu.pipeline_mode<synchronous>, transform_indices = @transform_0, window_bounds = array<i64: 2176, 768>}, {}, {}, {transform_indices = @transform_3, window_bounds = array<i64: 1, 1, 768>}, {pipeline_mode = #tpu.pipeline_mode<synchronous>, transform_indices = @transform_4, window_bounds = array<i64: 2176, 768>}]} {
    %get3A = arith.index_cast %arg0 : i32 to index
    %get3A_0 = memref.load %arg1[%get3A] : memref<128xi32, #tpu.memory_space<smem>>
    %add3A = arith.constant 1 : i32
    %add3A_1 = arith.addi %arg0, %add3A : i32
    %get3A_2 = arith.index_cast %add3A_1 : i32 to index
    %get3A_3 = memref.load %arg1[%get3A_2] : memref<128xi32, #tpu.memory_space<smem>>
    %rem3A = arith.constant 3 : i32
    %rem3A_4 = arith.remsi %arg0, %rem3A : i32
    %eq3A = arith.constant 0 : i32
    %eq3A_5 = arith.cmpi eq, %arg0, %eq3A : i32
    %convert_element_type3A = arith.extui %eq3A_5 : i1 to i32
    %cond3A = arith.constant 0 : i32
    %cond3A_6 = arith.cmpi ne, %convert_element_type3A, %cond3A : i32
    scf.if %cond3A_6 {
      %dma_start3A = arith.constant 0 : i32
      %dma_start3A_107 = arith.constant 0 : i32
      %dma_start3A_108 = arith.constant 0 : i32
      %dma_start3A_109 = tpu.memref_slice %arg9[%dma_start3A_108] : memref<3x!tpu.dma_semaphore, #tpu.memory_space<semaphore_mem>> -> memref<1x!tpu.dma_semaphore, #tpu.memory_space<semaphore_mem>>
      %dma_start3A_110 = tpu.memref_squeeze %dma_start3A_109 : memref<1x!tpu.dma_semaphore, #tpu.memory_space<semaphore_mem>> -> memref<!tpu.dma_semaphore, #tpu.memory_space<semaphore_mem>>
      %dma_start3A_111 = arith.constant 0 : i32
      %dma_start3A_112 = arith.constant 0 : i32
      %dma_start3A_113 = tpu.memref_slice %arg7[%dma_start3A_107, %dma_start3A_111, %dma_start3A_112] : memref<3x1024x768xf32, #tpu.memory_space<vmem>> -> memref<1x1024x768xf32, #tpu.memory_space<vmem>>
      %dma_start3A_114 = tpu.memref_squeeze %dma_start3A_113 : memref<1x1024x768xf32, #tpu.memory_space<vmem>> -> memref<1024x768xf32, #tpu.memory_space<vmem>>
      %dma_start3A_115 = arith.constant 0 : i32
      %dma_start3A_116 = arith.constant 0 : i32
      %dma_start3A_117 = tpu.memref_slice %arg3[%dma_start3A, %dma_start3A_115, %dma_start3A_116] : memref<64x1024x768xf32, #tpu.memory_space<any>> -> memref<1x1024x768xf32, #tpu.memory_space<any>>
      %dma_start3A_118 = tpu.memref_squeeze %dma_start3A_117 : memref<1x1024x768xf32, #tpu.memory_space<any>> -> memref<1024x768xf32, #tpu.memory_space<any>>
      tpu.enqueue_dma source(%dma_start3A_118 : memref<1024x768xf32, #tpu.memory_space<any>>) target(%dma_start3A_114 : memref<1024x768xf32, #tpu.memory_space<vmem>>) target_semaphore(%dma_start3A_110 : memref<!tpu.dma_semaphore, #tpu.memory_space<semaphore_mem>>)
      %dma_start3A_119 = arith.constant 0 : i32
      %dma_start3A_120 = arith.constant 0 : i32
      %dma_start3A_121 = arith.constant 0 : i32
      %dma_start3A_122 = tpu.memref_slice %arg10[%dma_start3A_121] : memref<3x!tpu.dma_semaphore, #tpu.memory_space<semaphore_mem>> -> memref<1x!tpu.dma_semaphore, #tpu.memory_space<semaphore_mem>>
      %dma_start3A_123 = tpu.memref_squeeze %dma_start3A_122 : memref<1x!tpu.dma_semaphore, #tpu.memory_space<semaphore_mem>> -> memref<!tpu.dma_semaphore, #tpu.memory_space<semaphore_mem>>
      %dma_start3A_124 = arith.constant 0 : i32
      %dma_start3A_125 = arith.constant 0 : i32
      %dma_start3A_126 = tpu.memref_slice %arg8[%dma_start3A_120, %dma_start3A_124, %dma_start3A_125] : memref<3x768x1024xf32, #tpu.memory_space<vmem>> -> memref<1x768x1024xf32, #tpu.memory_space<vmem>>
      %dma_start3A_127 = tpu.memref_squeeze %dma_start3A_126 : memref<1x768x1024xf32, #tpu.memory_space<vmem>> -> memref<768x1024xf32, #tpu.memory_space<vmem>>
      %dma_start3A_128 = arith.constant 0 : i32
      %dma_start3A_129 = arith.constant 0 : i32
      %dma_start3A_130 = tpu.memref_slice %arg4[%dma_start3A_119, %dma_start3A_128, %dma_start3A_129] : memref<64x768x1024xf32, #tpu.memory_space<any>> -> memref<1x768x1024xf32, #tpu.memory_space<any>>
      %dma_start3A_131 = tpu.memref_squeeze %dma_start3A_130 : memref<1x768x1024xf32, #tpu.memory_space<any>> -> memref<768x1024xf32, #tpu.memory_space<any>>
      tpu.enqueue_dma source(%dma_start3A_131 : memref<768x1024xf32, #tpu.memory_space<any>>) target(%dma_start3A_127 : memref<768x1024xf32, #tpu.memory_space<vmem>>) target_semaphore(%dma_start3A_123 : memref<!tpu.dma_semaphore, #tpu.memory_space<semaphore_mem>>)
      %dma_start3A_132 = arith.constant 1 : i32
      %dma_start3A_133 = arith.constant 1 : i32
      %dma_start3A_134 = arith.constant 1 : i32
      %dma_start3A_135 = tpu.memref_slice %arg9[%dma_start3A_134] : memref<3x!tpu.dma_semaphore, #tpu.memory_space<semaphore_mem>> -> memref<1x!tpu.dma_semaphore, #tpu.memory_space<semaphore_mem>>
      %dma_start3A_136 = tpu.memref_squeeze %dma_start3A_135 : memref<1x!tpu.dma_semaphore, #tpu.memory_space<semaphore_mem>> -> memref<!tpu.dma_semaphore, #tpu.memory_space<semaphore_mem>>
      %dma_start3A_137 = arith.constant 0 : i32
      %dma_start3A_138 = arith.constant 0 : i32
      %dma_start3A_139 = tpu.memref_slice %arg7[%dma_start3A_133, %dma_start3A_137, %dma_start3A_138] : memref<3x1024x768xf32, #tpu.memory_space<vmem>> -> memref<1x1024x768xf32, #tpu.memory_space<vmem>>
      %dma_start3A_140 = tpu.memref_squeeze %dma_start3A_139 : memref<1x1024x768xf32, #tpu.memory_space<vmem>> -> memref<1024x768xf32, #tpu.memory_space<vmem>>
      %dma_start3A_141 = arith.constant 0 : i32
      %dma_start3A_142 = arith.constant 0 : i32
      %dma_start3A_143 = tpu.memref_slice %arg3[%dma_start3A_132, %dma_start3A_141, %dma_start3A_142] : memref<64x1024x768xf32, #tpu.memory_space<any>> -> memref<1x1024x768xf32, #tpu.memory_space<any>>
      %dma_start3A_144 = tpu.memref_squeeze %dma_start3A_143 : memref<1x1024x768xf32, #tpu.memory_space<any>> -> memref<1024x768xf32, #tpu.memory_space<any>>
      tpu.enqueue_dma source(%dma_start3A_144 : memref<1024x768xf32, #tpu.memory_space<any>>) target(%dma_start3A_140 : memref<1024x768xf32, #tpu.memory_space<vmem>>) target_semaphore(%dma_start3A_136 : memref<!tpu.dma_semaphore, #tpu.memory_space<semaphore_mem>>)
      %dma_start3A_145 = arith.constant 1 : i32
      %dma_start3A_146 = arith.constant 1 : i32
      %dma_start3A_147 = arith.constant 1 : i32
      %dma_start3A_148 = tpu.memref_slice %arg10[%dma_start3A_147] : memref<3x!tpu.dma_semaphore, #tpu.memory_space<semaphore_mem>> -> memref<1x!tpu.dma_semaphore, #tpu.memory_space<semaphore_mem>>
      %dma_start3A_149 = tpu.memref_squeeze %dma_start3A_148 : memref<1x!tpu.dma_semaphore, #tpu.memory_space<semaphore_mem>> -> memref<!tpu.dma_semaphore, #tpu.memory_space<semaphore_mem>>
      %dma_start3A_150 = arith.constant 0 : i32
      %dma_start3A_151 = arith.constant 0 : i32
      %dma_start3A_152 = tpu.memref_slice %arg8[%dma_start3A_146, %dma_start3A_150, %dma_start3A_151] : memref<3x768x1024xf32, #tpu.memory_space<vmem>> -> memref<1x768x1024xf32, #tpu.memory_space<vmem>>
      %dma_start3A_153 = tpu.memref_squeeze %dma_start3A_152 : memref<1x768x1024xf32, #tpu.memory_space<vmem>> -> memref<768x1024xf32, #tpu.memory_space<vmem>>
      %dma_start3A_154 = arith.constant 0 : i32
      %dma_start3A_155 = arith.constant 0 : i32
      %dma_start3A_156 = tpu.memref_slice %arg4[%dma_start3A_145, %dma_start3A_154, %dma_start3A_155] : memref<64x768x1024xf32, #tpu.memory_space<any>> -> memref<1x768x1024xf32, #tpu.memory_space<any>>
      %dma_start3A_157 = tpu.memref_squeeze %dma_start3A_156 : memref<1x768x1024xf32, #tpu.memory_space<any>> -> memref<768x1024xf32, #tpu.memory_space<any>>
      tpu.enqueue_dma source(%dma_start3A_157 : memref<768x1024xf32, #tpu.memory_space<any>>) target(%dma_start3A_153 : memref<768x1024xf32, #tpu.memory_space<vmem>>) target_semaphore(%dma_start3A_149 : memref<!tpu.dma_semaphore, #tpu.memory_space<semaphore_mem>>)
    } else {
    }
    %add3A_7 = arith.constant 3 : i32
    %add3A_8 = arith.addi %arg0, %add3A_7 : i32
    %sub3A = arith.constant 1 : i32
    %sub3A_9 = arith.subi %add3A_8, %sub3A : i32
    %lt3A = arith.constant 64 : i32
    %lt3A_10 = arith.cmpi slt, %sub3A_9, %lt3A : i32
    %convert_element_type3A_11 = arith.extui %lt3A_10 : i1 to i32
    %cond3A_12 = arith.constant 0 : i32
    %cond3A_13 = arith.cmpi ne, %convert_element_type3A_11, %cond3A_12 : i32
    scf.if %cond3A_13 {
      %add3A_107 = arith.constant 3 : i32
      %add3A_108 = arith.addi %arg0, %add3A_107 : i32
      %sub3A_109 = arith.constant 1 : i32
      %sub3A_110 = arith.subi %add3A_108, %sub3A_109 : i32
      %add3A_111 = arith.constant 3 : i32
      %add3A_112 = arith.addi %arg0, %add3A_111 : i32
      %sub3A_113 = arith.constant 1 : i32
      %sub3A_114 = arith.subi %add3A_112, %sub3A_113 : i32
      %rem3A_115 = arith.constant 3 : i32
      %rem3A_116 = arith.remsi %sub3A_114, %rem3A_115 : i32
      %dma_start3A = tpu.memref_slice %arg9[%rem3A_116] : memref<3x!tpu.dma_semaphore, #tpu.memory_space<semaphore_mem>> -> memref<1x!tpu.dma_semaphore, #tpu.memory_space<semaphore_mem>>
      %dma_start3A_117 = tpu.memref_squeeze %dma_start3A : memref<1x!tpu.dma_semaphore, #tpu.memory_space<semaphore_mem>> -> memref<!tpu.dma_semaphore, #tpu.memory_space<semaphore_mem>>
      %dma_start3A_118 = arith.constant 0 : i32
      %dma_start3A_119 = arith.constant 0 : i32
      %dma_start3A_120 = tpu.memref_slice %arg7[%rem3A_116, %dma_start3A_118, %dma_start3A_119] : memref<3x1024x768xf32, #tpu.memory_space<vmem>> -> memref<1x1024x768xf32, #tpu.memory_space<vmem>>
      %dma_start3A_121 = tpu.memref_squeeze %dma_start3A_120 : memref<1x1024x768xf32, #tpu.memory_space<vmem>> -> memref<1024x768xf32, #tpu.memory_space<vmem>>
      %dma_start3A_122 = arith.constant 0 : i32
      %dma_start3A_123 = arith.constant 0 : i32
      %dma_start3A_124 = tpu.memref_slice %arg3[%sub3A_110, %dma_start3A_122, %dma_start3A_123] : memref<64x1024x768xf32, #tpu.memory_space<any>> -> memref<1x1024x768xf32, #tpu.memory_space<any>>
      %dma_start3A_125 = tpu.memref_squeeze %dma_start3A_124 : memref<1x1024x768xf32, #tpu.memory_space<any>> -> memref<1024x768xf32, #tpu.memory_space<any>>
      tpu.enqueue_dma source(%dma_start3A_125 : memref<1024x768xf32, #tpu.memory_space<any>>) target(%dma_start3A_121 : memref<1024x768xf32, #tpu.memory_space<vmem>>) target_semaphore(%dma_start3A_117 : memref<!tpu.dma_semaphore, #tpu.memory_space<semaphore_mem>>)
      %dma_start3A_126 = tpu.memref_slice %arg10[%rem3A_116] : memref<3x!tpu.dma_semaphore, #tpu.memory_space<semaphore_mem>> -> memref<1x!tpu.dma_semaphore, #tpu.memory_space<semaphore_mem>>
      %dma_start3A_127 = tpu.memref_squeeze %dma_start3A_126 : memref<1x!tpu.dma_semaphore, #tpu.memory_space<semaphore_mem>> -> memref<!tpu.dma_semaphore, #tpu.memory_space<semaphore_mem>>
      %dma_start3A_128 = arith.constant 0 : i32
      %dma_start3A_129 = arith.constant 0 : i32
      %dma_start3A_130 = tpu.memref_slice %arg8[%rem3A_116, %dma_start3A_128, %dma_start3A_129] : memref<3x768x1024xf32, #tpu.memory_space<vmem>> -> memref<1x768x1024xf32, #tpu.memory_space<vmem>>
      %dma_start3A_131 = tpu.memref_squeeze %dma_start3A_130 : memref<1x768x1024xf32, #tpu.memory_space<vmem>> -> memref<768x1024xf32, #tpu.memory_space<vmem>>
      %dma_start3A_132 = arith.constant 0 : i32
      %dma_start3A_133 = arith.constant 0 : i32
      %dma_start3A_134 = tpu.memref_slice %arg4[%sub3A_110, %dma_start3A_132, %dma_start3A_133] : memref<64x768x1024xf32, #tpu.memory_space<any>> -> memref<1x768x1024xf32, #tpu.memory_space<any>>
      %dma_start3A_135 = tpu.memref_squeeze %dma_start3A_134 : memref<1x768x1024xf32, #tpu.memory_space<any>> -> memref<768x1024xf32, #tpu.memory_space<any>>
      tpu.enqueue_dma source(%dma_start3A_135 : memref<768x1024xf32, #tpu.memory_space<any>>) target(%dma_start3A_131 : memref<768x1024xf32, #tpu.memory_space<vmem>>) target_semaphore(%dma_start3A_127 : memref<!tpu.dma_semaphore, #tpu.memory_space<semaphore_mem>>)
    } else {
    }
    %dma_wait3A = tpu.memref_slice %arg9[%rem3A_4] : memref<3x!tpu.dma_semaphore, #tpu.memory_space<semaphore_mem>> -> memref<1x!tpu.dma_semaphore, #tpu.memory_space<semaphore_mem>>
    %dma_wait3A_14 = tpu.memref_squeeze %dma_wait3A : memref<1x!tpu.dma_semaphore, #tpu.memory_space<semaphore_mem>> -> memref<!tpu.dma_semaphore, #tpu.memory_space<semaphore_mem>>
    %dma_wait3A_15 = arith.constant 0 : i32
    %dma_wait3A_16 = arith.constant 0 : i32
    %dma_wait3A_17 = tpu.memref_slice %arg7[%rem3A_4, %dma_wait3A_15, %dma_wait3A_16] : memref<3x1024x768xf32, #tpu.memory_space<vmem>> -> memref<1x1024x768xf32, #tpu.memory_space<vmem>>
    %dma_wait3A_18 = tpu.memref_squeeze %dma_wait3A_17 : memref<1x1024x768xf32, #tpu.memory_space<vmem>> -> memref<1024x768xf32, #tpu.memory_space<vmem>>
    %dma_wait3A_19 = arith.constant 0 : i32
    %dma_wait3A_20 = arith.constant 0 : i32
    %dma_wait3A_21 = tpu.memref_slice %arg3[%arg0, %dma_wait3A_19, %dma_wait3A_20] : memref<64x1024x768xf32, #tpu.memory_space<any>> -> memref<1x1024x768xf32, #tpu.memory_space<any>>
    %dma_wait3A_22 = tpu.memref_squeeze %dma_wait3A_21 : memref<1x1024x768xf32, #tpu.memory_space<any>> -> memref<1024x768xf32, #tpu.memory_space<any>>
    tpu.wait_dma2 semaphore(%dma_wait3A_14 : memref<!tpu.dma_semaphore, #tpu.memory_space<semaphore_mem>>) src(%dma_wait3A_22 : memref<1024x768xf32, #tpu.memory_space<any>>) dst(%dma_wait3A_18 : memref<1024x768xf32, #tpu.memory_space<vmem>>)
    %dma_wait3A_23 = tpu.memref_slice %arg10[%rem3A_4] : memref<3x!tpu.dma_semaphore, #tpu.memory_space<semaphore_mem>> -> memref<1x!tpu.dma_semaphore, #tpu.memory_space<semaphore_mem>>
    %dma_wait3A_24 = tpu.memref_squeeze %dma_wait3A_23 : memref<1x!tpu.dma_semaphore, #tpu.memory_space<semaphore_mem>> -> memref<!tpu.dma_semaphore, #tpu.memory_space<semaphore_mem>>
    %dma_wait3A_25 = arith.constant 0 : i32
    %dma_wait3A_26 = arith.constant 0 : i32
    %dma_wait3A_27 = tpu.memref_slice %arg8[%rem3A_4, %dma_wait3A_25, %dma_wait3A_26] : memref<3x768x1024xf32, #tpu.memory_space<vmem>> -> memref<1x768x1024xf32, #tpu.memory_space<vmem>>
    %dma_wait3A_28 = tpu.memref_squeeze %dma_wait3A_27 : memref<1x768x1024xf32, #tpu.memory_space<vmem>> -> memref<768x1024xf32, #tpu.memory_space<vmem>>
    %dma_wait3A_29 = arith.constant 0 : i32
    %dma_wait3A_30 = arith.constant 0 : i32
    %dma_wait3A_31 = tpu.memref_slice %arg4[%arg0, %dma_wait3A_29, %dma_wait3A_30] : memref<64x768x1024xf32, #tpu.memory_space<any>> -> memref<1x768x1024xf32, #tpu.memory_space<any>>
    %dma_wait3A_32 = tpu.memref_squeeze %dma_wait3A_31 : memref<1x768x1024xf32, #tpu.memory_space<any>> -> memref<768x1024xf32, #tpu.memory_space<any>>
    tpu.wait_dma2 semaphore(%dma_wait3A_24 : memref<!tpu.dma_semaphore, #tpu.memory_space<semaphore_mem>>) src(%dma_wait3A_32 : memref<768x1024xf32, #tpu.memory_space<any>>) dst(%dma_wait3A_28 : memref<768x1024xf32, #tpu.memory_space<vmem>>)
    %get3A_33 = arith.index_cast %rem3A_4 : i32 to index
    %get3A_34 = arith.constant 0 : index
    %get3A_35 = arith.constant 0 : index
    %get3A_36 = vector.load %arg7[%get3A_33, %get3A_34, %get3A_35] : memref<3x1024x768xf32, #tpu.memory_space<vmem>>, vector<1x1024x768xf32>
    %get3A_37 = vector.shape_cast %get3A_36 : vector<1x1024x768xf32> to vector<1024x768xf32>
    %get3A_38 = arith.index_cast %rem3A_4 : i32 to index
    %get3A_39 = arith.constant 0 : index
    %get3A_40 = arith.constant 0 : index
    %get3A_41 = vector.load %arg8[%get3A_38, %get3A_39, %get3A_40] : memref<3x768x1024xf32, #tpu.memory_space<vmem>>, vector<1x768x1024xf32>
    %get3A_42 = vector.shape_cast %get3A_41 : vector<1x768x1024xf32> to vector<768x1024xf32>
    %get3A_43 = arith.constant 0 : index
    %get3A_44 = arith.constant 0 : index
    %get3A_45 = arith.constant 0 : index
    %get3A_46 = vector.load %arg5[%get3A_43, %get3A_44, %get3A_45] : memref<1x1x768xf32, #tpu.memory_space<vmem>>, vector<1x1x768xf32>
    %get3A_47 = vector.shape_cast %get3A_46 : vector<1x1x768xf32> to vector<1x768xf32>
    %jit3A = arith.constant 8 : i32
    %div3A = arith.divsi %get3A_0, %jit3A : i32
    %sign3A = arith.constant 0 : i32
    %sign3A_48 = arith.cmpi sgt, %get3A_0, %sign3A : i32
    %sign3A_49 = arith.extui %sign3A_48 : i1 to i32
    %sign3A_50 = arith.constant 0 : i32
    %sign3A_51 = arith.cmpi slt, %get3A_0, %sign3A_50 : i32
    %sign3A_52 = arith.extui %sign3A_51 : i1 to i32
    %sign3A_53 = arith.subi %sign3A_49, %sign3A_52 : i32
    %sign3A_54 = arith.constant 0 : i32
    %sign3A_55 = arith.cmpi sgt, %jit3A, %sign3A_54 : i32
    %sign3A_56 = arith.extui %sign3A_55 : i1 to i32
    %sign3A_57 = arith.constant 0 : i32
    %sign3A_58 = arith.cmpi slt, %jit3A, %sign3A_57 : i32
    %sign3A_59 = arith.extui %sign3A_58 : i1 to i32
    %sign3A_60 = arith.subi %sign3A_56, %sign3A_59 : i32
    %ne3A = arith.cmpi ne, %sign3A_53, %sign3A_60 : i32
    %rem3A_61 = arith.remsi %get3A_0, %jit3A : i32
    %ne3A_62 = arith.constant 0 : i32
    %ne3A_63 = arith.cmpi ne, %rem3A_61, %ne3A_62 : i32
    %and3A = arith.andi %ne3A, %ne3A_63 : i1
    %sub3A_64 = arith.constant 1 : i32
    %sub3A_65 = arith.subi %div3A, %sub3A_64 : i32
    %select_n3A = arith.select %and3A, %sub3A_65, %div3A : i32
    %mul3A = arith.constant 8 : i32
    %mul3A_66 = arith.muli %select_n3A, %mul3A : i32
    %gt3A = arith.cmpi sgt, %get3A_3, %get3A_0 : i32
    %sub3A_67 = arith.subi %get3A_3, %mul3A_66 : i32
    %add3A_68 = arith.constant 128 : i32
    %add3A_69 = arith.addi %sub3A_67, %add3A_68 : i32
    %sub3A_70 = arith.constant 1 : i32
    %sub3A_71 = arith.subi %add3A_69, %sub3A_70 : i32
    %jit3A_72 = arith.constant 128 : i32
    %div3A_73 = arith.divsi %sub3A_71, %jit3A_72 : i32
    %sign3A_74 = arith.constant 0 : i32
    %sign3A_75 = arith.cmpi sgt, %sub3A_71, %sign3A_74 : i32
    %sign3A_76 = arith.extui %sign3A_75 : i1 to i32
    %sign3A_77 = arith.constant 0 : i32
    %sign3A_78 = arith.cmpi slt, %sub3A_71, %sign3A_77 : i32
    %sign3A_79 = arith.extui %sign3A_78 : i1 to i32
    %sign3A_80 = arith.subi %sign3A_76, %sign3A_79 : i32
    %sign3A_81 = arith.constant 0 : i32
    %sign3A_82 = arith.cmpi sgt, %jit3A_72, %sign3A_81 : i32
    %sign3A_83 = arith.extui %sign3A_82 : i1 to i32
    %sign3A_84 = arith.constant 0 : i32
    %sign3A_85 = arith.cmpi slt, %jit3A_72, %sign3A_84 : i32
    %sign3A_86 = arith.extui %sign3A_85 : i1 to i32
    %sign3A_87 = arith.subi %sign3A_83, %sign3A_86 : i32
    %ne3A_88 = arith.cmpi ne, %sign3A_80, %sign3A_87 : i32
    %rem3A_89 = arith.remsi %sub3A_71, %jit3A_72 : i32
    %ne3A_90 = arith.constant 0 : i32
    %ne3A_91 = arith.cmpi ne, %rem3A_89, %ne3A_90 : i32
    %and3A_92 = arith.andi %ne3A_88, %ne3A_91 : i1
    %sub3A_93 = arith.constant 1 : i32
    %sub3A_94 = arith.subi %div3A_73, %sub3A_93 : i32
    %select_n3A_95 = arith.select %and3A_92, %sub3A_94, %div3A_73 : i32
    %jit3A_96 = arith.constant 0 : i32
    %select_n3A_97 = arith.select %gt3A, %select_n3A_95, %jit3A_96 : i32
    %while3A = arith.constant 0 : i32
    %while3A_98 = arith.constant 0 : i32
    %while3A_99 = arith.subi %select_n3A_97, %while3A_98 : i32
    %while3A_100 = arith.addi %while3A_98, %while3A_99 : i32
    %while3A_101 = arith.constant 1 : i32
    %while3A_102 = arith.divsi %while3A_99, %while3A_101 : i32
    %while3A_103 = arith.muli %while3A_102, %while3A_101 : i32
    %while3A_104 = arith.addi %while3A_98, %while3A_103 : i32
    %while3A_105 = arith.constant 1 : i32
    scf.for %while3A_107 = %while3A_98 to %while3A_104 step %while3A_105  : i32 {
      %mul3A_108 = arith.constant 128 : i32
      %mul3A_109 = arith.muli %while3A_107, %mul3A_108 : i32
      %add3A_110 = arith.addi %mul3A_66, %mul3A_109 : i32
      %get3A_111 = arith.index_cast %add3A_110 : i32 to index
      %get3A_112 = arith.constant 0 : index
      %get3A_113 = vector.load %arg2[%get3A_111, %get3A_112] : memref<2176x768xf32, #tpu.memory_space<vmem>>, vector<128x768xf32>
      %dot_general3A = arith.constant dense<0.000000e+00> : vector<128x1024xf32>
      %dot_general3A_114 = tpu.matmul %get3A_113, %get3A_37, %dot_general3A {dimension_numbers = #tpu.dot_dimension_numbers<[1], [1], [0], [0], [0, 0, 1, 0], [], []>, transpose_lhs_hint = false} : vector<128x768xf32>, vector<1024x768xf32>, vector<128x1024xf32> -> vector<128x1024xf32>
      %mul3A_115 = arith.constant 5.000000e-01 : f32
      %mul3A_116 = vector.broadcast %mul3A_115 : f32 to vector<128x1024xf32>
      %mul3A_117 = arith.mulf %mul3A_116, %dot_general3A_114 : vector<128x1024xf32>
      %mul3A_118 = arith.constant 0.707106769 : f32
      %mul3A_119 = vector.broadcast %mul3A_118 : f32 to vector<128x1024xf32>
      %mul3A_120 = arith.mulf %dot_general3A_114, %mul3A_119 : vector<128x1024xf32>
      %erf3A = math.erf %mul3A_120 : vector<128x1024xf32>
      %add3A_121 = arith.constant 1.000000e+00 : f32
      %add3A_122 = vector.broadcast %add3A_121 : f32 to vector<128x1024xf32>
      %add3A_123 = arith.addf %add3A_122, %erf3A : vector<128x1024xf32>
      %mul3A_124 = arith.mulf %mul3A_117, %add3A_123 : vector<128x1024xf32>
      %dot_general3A_125 = arith.constant dense<0.000000e+00> : vector<128x768xf32>
      %dot_general3A_126 = tpu.matmul %mul3A_124, %get3A_42, %dot_general3A_125 {dimension_numbers = #tpu.dot_dimension_numbers<[1], [1], [0], [0], [0, 0, 1, 0], [], []>, transpose_lhs_hint = false} : vector<128x1024xf32>, vector<768x1024xf32>, vector<128x768xf32> -> vector<128x768xf32>
      %add3A_127 = vector.broadcast %get3A_47 : vector<1x768xf32> to vector<128x768xf32>
      %add3A_128 = arith.addf %dot_general3A_126, %add3A_127 : vector<128x768xf32>
      %iota3A = tpu.iota {dimensions = array<i32: 0>} : vector<128x1xi32>
      %add3A_129 = vector.broadcast %add3A_110 : i32 to vector<128x1xi32>
      %add3A_130 = arith.addi %add3A_129, %iota3A : vector<128x1xi32>
      %ge3A = vector.broadcast %get3A_0 : i32 to vector<128x1xi32>
      %ge3A_131 = arith.cmpi sge, %add3A_130, %ge3A : vector<128x1xi32>
      %lt3A_132 = vector.broadcast %get3A_3 : i32 to vector<128x1xi32>
      %lt3A_133 = arith.cmpi slt, %add3A_130, %lt3A_132 : vector<128x1xi32>
      %and3A_134 = arith.andi %ge3A_131, %lt3A_133 : vector<128x1xi1>
      %get3A_135 = arith.index_cast %add3A_110 : i32 to index
      %get3A_136 = arith.constant 0 : index
      %get3A_137 = vector.load %arg6[%get3A_135, %get3A_136] : memref<2176x768xf32, #tpu.memory_space<vmem>>, vector<128x768xf32>
      %broadcast_in_dim3A = vector.shape_cast %and3A_134 : vector<128x1xi1> to vector<128x1xi1>
      %broadcast_in_dim3A_138 = vector.broadcast %broadcast_in_dim3A : vector<128x1xi1> to vector<128x768xi1>
      %select_n3A_139 = arith.select %broadcast_in_dim3A_138, %add3A_128, %get3A_137 : vector<128x768xi1>, vector<128x768xf32>
      %swap3A = arith.index_cast %add3A_110 : i32 to index
      %swap3A_140 = arith.constant 0 : index
      %swap3A_141 = vector.load %arg6[%swap3A, %swap3A_140] : memref<2176x768xf32, #tpu.memory_space<vmem>>, vector<128x768xf32>
      tpu.vector_store %arg6[%swap3A, %swap3A_140], %select_n3A_139 {strides = array<i32>} : memref<2176x768xf32, #tpu.memory_space<vmem>>, vector<128x768xf32>,
    }
    %while3A_106 = arith.constant 1 : i32
    scf.for %while3A_107 = %while3A_104 to %while3A_100 step %while3A_106  : i32 {
      %mul3A_108 = arith.constant 128 : i32
      %mul3A_109 = arith.muli %while3A_107, %mul3A_108 : i32
      %add3A_110 = arith.addi %mul3A_66, %mul3A_109 : i32
      %get3A_111 = arith.index_cast %add3A_110 : i32 to index
      %get3A_112 = arith.constant 0 : index
      %get3A_113 = vector.load %arg2[%get3A_111, %get3A_112] : memref<2176x768xf32, #tpu.memory_space<vmem>>, vector<128x768xf32>
      %dot_general3A = arith.constant dense<0.000000e+00> : vector<128x1024xf32>
      %dot_general3A_114 = tpu.matmul %get3A_113, %get3A_37, %dot_general3A {dimension_numbers = #tpu.dot_dimension_numbers<[1], [1], [0], [0], [0, 0, 1, 0], [], []>, transpose_lhs_hint = false} : vector<128x768xf32>, vector<1024x768xf32>, vector<128x1024xf32> -> vector<128x1024xf32>
      %mul3A_115 = arith.constant 5.000000e-01 : f32
      %mul3A_116 = vector.broadcast %mul3A_115 : f32 to vector<128x1024xf32>
      %mul3A_117 = arith.mulf %mul3A_116, %dot_general3A_114 : vector<128x1024xf32>
      %mul3A_118 = arith.constant 0.707106769 : f32
      %mul3A_119 = vector.broadcast %mul3A_118 : f32 to vector<128x1024xf32>
      %mul3A_120 = arith.mulf %dot_general3A_114, %mul3A_119 : vector<128x1024xf32>
      %erf3A = math.erf %mul3A_120 : vector<128x1024xf32>
      %add3A_121 = arith.constant 1.000000e+00 : f32
      %add3A_122 = vector.broadcast %add3A_121 : f32 to vector<128x1024xf32>
      %add3A_123 = arith.addf %add3A_122, %erf3A : vector<128x1024xf32>
      %mul3A_124 = arith.mulf %mul3A_117, %add3A_123 : vector<128x1024xf32>
      %dot_general3A_125 = arith.constant dense<0.000000e+00> : vector<128x768xf32>
      %dot_general3A_126 = tpu.matmul %mul3A_124, %get3A_42, %dot_general3A_125 {dimension_numbers = #tpu.dot_dimension_numbers<[1], [1], [0], [0], [0, 0, 1, 0], [], []>, transpose_lhs_hint = false} : vector<128x1024xf32>, vector<768x1024xf32>, vector<128x768xf32> -> vector<128x768xf32>
      %add3A_127 = vector.broadcast %get3A_47 : vector<1x768xf32> to vector<128x768xf32>
      %add3A_128 = arith.addf %dot_general3A_126, %add3A_127 : vector<128x768xf32>
      %iota3A = tpu.iota {dimensions = array<i32: 0>} : vector<128x1xi32>
      %add3A_129 = vector.broadcast %add3A_110 : i32 to vector<128x1xi32>
      %add3A_130 = arith.addi %add3A_129, %iota3A : vector<128x1xi32>
      %ge3A = vector.broadcast %get3A_0 : i32 to vector<128x1xi32>
      %ge3A_131 = arith.cmpi sge, %add3A_130, %ge3A : vector<128x1xi32>
      %lt3A_132 = vector.broadcast %get3A_3 : i32 to vector<128x1xi32>
      %lt3A_133 = arith.cmpi slt, %add3A_130, %lt3A_132 : vector<128x1xi32>
      %and3A_134 = arith.andi %ge3A_131, %lt3A_133 : vector<128x1xi1>
      %get3A_135 = arith.index_cast %add3A_110 : i32 to index
      %get3A_136 = arith.constant 0 : index
      %get3A_137 = vector.load %arg6[%get3A_135, %get3A_136] : memref<2176x768xf32, #tpu.memory_space<vmem>>, vector<128x768xf32>
      %broadcast_in_dim3A = vector.shape_cast %and3A_134 : vector<128x1xi1> to vector<128x1xi1>
      %broadcast_in_dim3A_138 = vector.broadcast %broadcast_in_dim3A : vector<128x1xi1> to vector<128x768xi1>
      %select_n3A_139 = arith.select %broadcast_in_dim3A_138, %add3A_128, %get3A_137 : vector<128x768xi1>, vector<128x768xf32>
      %swap3A = arith.index_cast %add3A_110 : i32 to index
      %swap3A_140 = arith.constant 0 : index
      %swap3A_141 = vector.load %arg6[%swap3A, %swap3A_140] : memref<2176x768xf32, #tpu.memory_space<vmem>>, vector<128x768xf32>
      tpu.vector_store %arg6[%swap3A, %swap3A_140], %select_n3A_139 {strides = array<i32>} : memref<2176x768xf32, #tpu.memory_space<vmem>>, vector<128x768xf32>,
    }
    return
  }
  func.func @transform_0(%arg0: i32, %arg1: memref<128xi32, #tpu.memory_space<smem>>) -> (i32, i32) {
    %c0_i32 = arith.constant 0 : i32
    %c0_i32_0 = arith.constant 0 : i32
    %c0_i32_1 = arith.constant 0 : i32
    return %c0_i32, %c0_i32_0 : i32, i32
  }
  func.func @transform_3(%arg0: i32, %arg1: memref<128xi32, #tpu.memory_space<smem>>) -> (i32, i32, i32) {
    %c0_i32 = arith.constant 0 : i32
    %c0_i32_0 = arith.constant 0 : i32
    %c0_i32_1 = arith.constant 0 : i32
    return %arg0, %c0_i32, %c0_i32_0 : i32, i32, i32
  }
  func.func @transform_4(%arg0: i32, %arg1: memref<128xi32, #tpu.memory_space<smem>>) -> (i32, i32) {
    %c0_i32 = arith.constant 0 : i32
    %c0_i32_0 = arith.constant 0 : i32
    %c0_i32_1 = arith.constant 0 : i32
    return %c0_i32, %c0_i32_0 : i32, i32
  }
}

</mosaic_0001>

<sc_bundles>
// kernel: kernel.6.cloned.1.call-start
scs
__scs_entry_jumppad:
0x0: {  	(pc) =	sbr.rel $0x88, $3  }
0x1: {  	(tag) =	ssettag $0x0;
	lr =	simm.s32 $0x1  }
0x2: {  	[smem:$0x3F9C] =	sst lr;
	_ =	strace $0xD0000000  }
0x3: {  	_ = 	snop  }
0x4: {  	_ = 	snop  }
0x5: {  	_ = 	snop  }
0x6: {  	_ = 	snop  }
0x7: {  	_ = 	snop  }
__scs_overlays_trampoline_lowered:
0x8: {  	[smem:$0x3FAB] =	sst s0  }
0x9: {  	[smem:$0x3FAC] =	sst s1  }
0xa: {  	[smem:$0x3FAD] =	sst s2  }
0xb: {  	[smem:$0x3FAE] =	sst s3  }
0xc: {  	[smem:$0x3FAF] =	sst s4  }
0xd: {  	[smem:$0x3FB0] =	sst s5  }
0xe: {  	[smem:$0x3FB1] =	sst s6  }
0xf: {  	[smem:$0x3FB2] =	sst s7  }
0x10: {  	[smem:$0x3FB3] =	sst s8  }
0x11: {  	[smem:$0x3FB4] =	sst s9;
	s0 =	simm.s32 @!p0 $0x0  }
0x12: {  	s1 =	sld [smem:$0x3F9A];
	s0 =	simm.s32 @p0 $0x1  }
0x13: {  	[smem:$0x3FB5] =	sst s0;
	s0 =	simm.s32 @!p1 $0x0  }
0x14: {  	s2 =	sld [smem:$0x3F99];
	s0 =	simm.s32 @p1 $0x1  }
0x15: {  	[smem:$0x3FB6] =	sst s0;
	s0 =	simm.s32 @!p2 $0x0  }
0x16: {  	s3 =	sld [smem:$0x3FDB];
	s0 =	simm.s32 @p2 $0x1  }
0x17: {  	s4 =	simm.s32 $0x1BF5;
	[smem:$0x3FB8] =	sst s0  }
0x18: {  	s0 =	sld [smem:$0x3F9B];
	_ =	swait.ge [sflag:s4], $0x0  }
0x19: {  	s7 =	sld [smem:$0x3F9C]  }
0x1a: {  	s8 =	sadd.s32 $0xFFFFE003, lr  }
0x1b: {  	s9 =	sadd.s32 $0xFFFFFEF7, lr;
	s5 =	simm.s32 $0xFFFFFFFF;
	p2 =	slt.u32 s8, $0xFFFFF086  }
0x1c: {  	p1 =	slt.u32 s9, $0xF7A;
	s5 =	simm.s32 @!p2 $0x0  }
0x1d: {  	s5 =	simm.s32 @p1 $0x1;
	p0 =	seq.s32 s7, s2  }
0x1e: {  	s7 =	smul.u32 @!p0 $0xF7A, s2;
	p2 =	seq.s32 @!p0 s5, $0x0  }
0x1f: {  	s9 =	smul.u32 $0xF7A, s1;
	s8 =	simm.s32 @!p0 $0x1BF5;
	p2 =	por !p2, p0  }
0x20: {  	[sflag:s8] =	ssyncset.s32 @!p0 $0xFFFFF086;
	s6 =	sadd.s32 @!p0 s3, s7;
	s7 =	simm.s32 @!p0 $0x108  }
0x21: {  	s3 =	sadd.s32 s3, s9;
	s6 =	sadd.s32 @!p0 $0x88, s6;
	s7 =	simm.s32 @p2 $0x1082  }
0x22: {  	[simem:s7], [sflag:s8] =	dma.local @!p0 [hbm:s6], $0xF7A  }
0x23: {  	s9 =	sor.u32 $0xD0000000, s2;
	s6 =	simm.s32 $0x108;
	_ =	swait.ge @!p0 [sflag:s8], $0x0  }
0x24: {  	s3 =	sadd.s32 $0x88, s3;
	s6 =	simm.s32 @!p1 $0x1082;
	[sflag:s4] =	ssyncset.s32 $0xFFFFF086  }
0x25: {  	[simem:s6], [sflag:s4] =	dma.local [hbm:s3], $0xF7A  }
0x26: {  	[smem:$0x3F9C] =	sst s1;
	(tag) =	ssettag s2;
	_ =	strace s9  }
0x27: {  	s1 =	sld [smem:$0x3FAC]  }
0x28: {  	s2 =	sld [smem:$0x3FAD]  }
0x29: {  	s4 =	sld [smem:$0x3FAF]  }
0x2a: {  	p0 =	seq.s32 s5, $0x0;
	s5 =	sld [smem:$0x3FB0]  }
0x2b: {  	s6 =	sld [smem:$0x3FB1]  }
0x2c: {  	s7 =	sld [smem:$0x3FB2]  }
0x2d: {  	s3 =	simm.s32 $0x108;
	s8 =	sld [smem:$0x3FB3]  }
0x2e: {  	s3 =	simm.s32 @!p0 $0x1082;
	s9 =	sld [smem:$0x3FB4]  }
0x2f: {  	lr =	sadd.s32 s0, s3;
	s0 =	sld [smem:$0x3FAB]  }
0x30: {  	s3 =	sld [smem:$0x3FAE]  }
0x31: {  	[smem:$0x3FB7] =	sst s10  }
0x32: {  	s10 =	sld [smem:$0x3FB5];
	_ =	sdelay $0x3  }
0x33: {  	p0 =	seq.s32 s10, $0x1;
	s10 =	sld [smem:$0x3FB7];
	_ =	sdelay $0x3  }
0x34: {  	[smem:$0x3FB7] =	sst s10  }
0x35: {  	s10 =	sld [smem:$0x3FB6];
	_ =	sdelay $0x3  }
0x36: {  	p1 =	seq.s32 s10, $0x1;
	s10 =	sld [smem:$0x3FB7];
	_ =	sdelay $0x3  }
0x37: {  	[smem:$0x3FB7] =	sst s10  }
0x38: {  	s10 =	sld [smem:$0x3FB8]  }
0x39: {  	_ = 	snop;
	(pc) =	sbr.ind lr, $3  }
0x3a: {  	_ = 	snop  }
0x3b: {  	_ = 	snop  }
0x3c: {  	p2 =	seq.s32 s10, $0x1;
	s10 =	sld [smem:$0x3FB7]  }
0x3d: {  	_ =	shalt  }
0x3e: {  	_ =	shalt  }
0x3f: {  	_ =	shalt  }
0x40: {  	_ =	shalt  }
0x41: {  	_ =	shalt  }
0x42: {  	_ =	shalt  }
0x43: {  	_ =	shalt  }
0x44: {  	_ =	shalt  }
0x45: {  	_ =	shalt  }
0x46: {  	_ =	shalt  }
0x47: {  	_ =	shalt  }
0x48: {  	_ =	shalt  }
0x49: {  	_ =	shalt  }
0x4a: {  	_ =	shalt  }
0x4b: {  	_ =	shalt  }
0x4c: {  	_ =	shalt  }
0x4d: {  	_ =	shalt  }
0x4e: {  	_ =	shalt  }
0x4f: {  	_ =	shalt  }
0x50: {  	_ =	shalt  }
0x51: {  	_ =	shalt  }
0x52: {  	_ =	shalt  }
0x53: {  	_ =	shalt  }
0x54: {  	_ =	shalt  }
0x55: {  	_ =	shalt  }
0x56: {  	_ =	shalt  }
0x57: {  	_ =	shalt  }
0x58: {  	_ =	shalt  }
0x59: {  	_ =	shalt  }
0x5a: {  	_ =	shalt  }
0x5b: {  	_ =	shalt  }
0x5c: {  	_ =	shalt  }
0x5d: {  	_ =	shalt  }
0x5e: {  	_ =	shalt  }
0x5f: {  	_ =	shalt  }
0x60: {  	_ =	shalt  }
0x61: {  	_ =	shalt  }
0x62: {  	_ =	shalt  }
0x63: {  	_ =	shalt  }
0x64: {  	_ =	shalt  }
0x65: {  	_ =	shalt  }
0x66: {  	_ =	shalt  }
0x67: {  	_ =	shalt  }
0x68: {  	_ =	shalt  }
0x69: {  	_ =	shalt  }
0x6a: {  	_ =	shalt  }
0x6b: {  	_ =	shalt  }
0x6c: {  	_ =	shalt  }
0x6d: {  	_ =	shalt  }
0x6e: {  	_ =	shalt  }
0x6f: {  	_ =	shalt  }
0x70: {  	_ =	shalt  }
0x71: {  	_ =	shalt  }
0x72: {  	_ =	shalt  }
0x73: {  	_ =	shalt  }
0x74: {  	_ =	shalt  }
0x75: {  	_ =	shalt  }
0x76: {  	_ =	shalt  }
0x77: {  	_ =	shalt  }
0x78: {  	_ =	shalt  }
0x79: {  	_ =	shalt  }
0x7a: {  	_ =	shalt  }
0x7b: {  	_ =	shalt  }
0x7c: {  	_ =	shalt  }
0x7d: {  	_ =	shalt  }
0x7e: {  	_ =	shalt  }
0x7f: {  	_ =	shalt  }
0x80: {  	_ =	shalt  }
0x81: {  	_ =	shalt  }
0x82: {  	_ =	shalt  }
0x83: {  	_ =	shalt  }
0x84: {  	_ =	shalt  }
0x85: {  	_ =	shalt  }
0x86: {  	_ =	shalt  }
0x87: {  	_ =	shalt  }
.Lfunc_end0:
.L_simem_size_0:
called_computation_lowered:
.L_overlay_start_0:
0x88: {  	s2 =	sld [smem:$0x3FD9]  }
0x89: {  	s3 =	sld [smem:$0x3FFE];
	_ =	sdelay $0x1  }
0x8a: {  	s1 =	srdreg.scid  }
0x8b: {  	s0 =	sand.u32 $0x1, s1  }
0x8c: {  	s17 =	sshll.u32 s0, $0xA;
	s2 =	sadd.s32 s3, s2  }
0x8d: {  	s2 =	sadd.s32 s2, s17  }
0x8e: {  	[smem:$0x3FC3] =	sst s2  }
0x8f: {  	_ = 	snop  }
0x90: {  	s2 =	sld [smem:$0x3FC9];
	(tm) =	ssettm $0x1  }
0x91: {  	s18 =	sld [smem:$0x3FFB];
	_ =	sdelay $0x3  }
0x92: {  	_ =	strace s18  }
0x93: {  	s3 =	sld [smem:$0x3FFC];
	_ =	sdelay $0x3  }
0x94: {  	_ =	strace s3  }
0x95: {  	s3 =	sld [smem:$0x3FFD];
	_ =	sdelay $0x3  }
0x96: {  	_ =	strace s3  }
0x97: {  	_ =	strace $0x8FFFFFFF  }
0x98: {  	s19 =	sld [smem:$0x3FDB];
	_ =	sdelay $0x1  }
0x99: {  	s4 =	simm.s32 $_scs_section_size  }
0x9a: {  	s5 =	simm.s32 $_size__tile_overlayer_lowered;
	s6 =	simm.s32 $_tile_overlayer_lowered  }
0x9b: {  	s22 =	simm.s32 $0x1BFF;
	s21 =	sshll.u32 s6, $0x1;
	s3 =	sadd.s32 s4, s19  }
0x9c: {  	s7 =	simm.s32 $0x0;
	s20 =	sshll.u32 s5, $0x1;
	s5 =	sadd.s32 s21, s3  }
0x9d: {  	[timem:s7], [sflag:s22] =	dma.local [hbm:s5], s20  }
0x9e: {  	_ =	swait.ge [sflag:s22], s20  }
0x9f: {  	s4 =	ssub.s32 $0x0, s20;
	[sflag:s22] =	ssyncset.done $0x0  }
0xa0: {  	[sflag:s22] =	ssyncadd.s32 s4;
	_ =	sdelay $0x1  }
0xa1: {  	s23 =	simm.s32 $0x1B8B  }
0xa2: {  	_ =	swait.ge [sflag:s23], $0x1  }
0xa3: {  	[sflag:s23] =	ssyncset.done $0x0  }
0xa4: {  	s25 =	simm.s32 $0x1B8E;
	s24 =	sld [smem:$0x3FFE];
	[sflag:s23] =	ssyncadd.s32 $0xFFFFFFFF  }
0xa5: {  	s26 =	simm.s32 $execute0_lowered;
	[smem:$0x3FD2] =	sst s25  }
0xa6: {  	s5 =	sshll.u32 s26, $0x1;
	_ =	strace $0x80000046;
	[dreg:$0x1] =	wrdreg $0xFFFFFFFF  }
0xa7: {  	s28 =	simm.s32 $_size_execute0_lowered;
	s3 =	sadd.s32 s3, s5;
	[dreg:$0x0] =	wrdreg $0x0  }
0xa8: {  	s5 =	sshll.u32 s28, $0x1;
	[dreg:$0x2] =	wrdreg s3  }
0xa9: {  	[dreg:$0x3] =	wrdreg s5  }
0xaa: {  	[dreg:$0x4] =	wrdreg $0xC0  }
0xab: {  	_ =	task [dreg:s7], $0x5FFFF  }
0xac: {  	[dreg:$0x1] =	wrdreg $0xFFFFFFFF  }
0xad: {  	[dreg:$0x0] =	wrdreg $0x60  }
0xae: {  	[dreg:$0x2] =	wrdreg s2  }
0xaf: {  	[dreg:$0x3] =	wrdreg s24  }
0xb0: {  	[dreg:$0x4] =	wrdreg $0x9  }
0xb1: {  	_ =	task.clear_ibuf [dreg:s7], $0x5FFFF;
	_ =	strace $0x90000046  }
0xb2: {  	s29 =	simm.s32 $0x9;
	_ =	strace $0x80000048  }
0xb3: {  	_ =	swait.ge [sflag:s29], $0x1  }
0xb4: {  	[sflag:s29] =	ssyncadd.s32 $0xFFFFFFFF  }
0xb5: {  	_ =	strace $0x90000048  }
0xb6: {  	_ =	sfence  }
0xb7: {  	s30 =	sld [smem:$0x0];
	_ =	sdelay $0x2  }
0xb8: {  	s31 =	sshll.u32 s1, $0xD;
	s1 =	sshrl.u32 s1, $0x2  }
0xb9: {  	s3 =	sand.u32 $0x4000, s31;
	s1 =	sadd.s32 s1, s30  }
0xba: {  	s0 =	sor.u32 s3, s0;
	s1 =	sshll.u32 s1, $0x11  }
0xbb: {  	s0 =	sor.u32 s1, s0  }
0xbc: {  	s0 =	sadd.s32 $0x8F2B, s0  }
0xbd: {  	[sflag:s0] =	ssyncadd.remote.s32 $0x1  }
0xbe: {  	_ =	sfence.sel $0xFFFF  }
0xbf: {  	[dreg:$0x0] =	wrdreg $0xFFFFFFFF;
	(pc) =	sbr.abs _section_cstart, $3  }
0xc0: {  	[dreg:$0x1] =	wrdreg $0xFFFFFFFF  }
0xc1: {  	_ =	task.clear_ibuf [dreg:s7], $0x2FFFF;
	_ =	strace $0x9FFFFFFF  }
0xc2: {  	(tm) =	ssettm $0x7FFFFFFF  }
0xc3: {  	_ =	shalt  }
tec
execute0_lowered:
.L_overlay_start_1:
0x0: {  	(tag) =	ssettag $0x1  }
0x1: {  	s1 =	srdreg.scid  }
0x2: {  	s3 =	rddreg [dreg:$0x0];
	s0 =	stileid.u32  }
0x3: {  	s5 =	rddreg [dreg:$0x1];
	s2 =	simm.s32 $0x0;
	s8 =	simm.s32 $0x80  }
0x4: {  	s26 =	simm.s32 $0x880;
	s9 =	simm.s32 $0x1080;
	s10 =	simm.s32 $0x1880  }
0x5: {  	s11 =	simm.s32 $0x2080;
	s12 =	simm.s32 $0x2880;
	s13 =	simm.s32 $0x3080  }
0x6: {  	s14 =	simm.s32 $0x3880;
	s15 =	simm.s32 $0x4080;
	s16 =	simm.s32 $0x4880  }
0x7: {  	s17 =	simm.s32 $0x5080;
	s18 =	simm.s32 $0x5880;
	s19 =	simm.s32 $0x6080  }
0x8: {  	s20 =	simm.s32 $0x6880;
	s21 =	simm.s32 $0x7080;
	s22 =	simm.s32 $0x7880  }
0x9: {  	s23 =	simm.s32 $0x8080;
	s24 =	simm.s32 $0x8880;
	s25 =	simm.s32 $0x9080  }
0xa: {  	s28 =	simm.s32 $0xA080;
	s29 =	simm.s32 $0xA880;
	s30 =	simm.s32 $0xB080  }
0xb: {  	s31 =	simm.s32 $0xB880;
	s1 =	sand.u32 $0x1, s1;
	[smem:$0x7FF] =	sst s2  }
0xc: {  	s4 =	sshll.u32 s0, $0x4;
	s6 =	sshll.u32 s1, $0x3;
	_ =	strace $0x80000047  }
0xd: {  	s1 =	ssub.s32 $0x2, s1;
	[dreg:$0x5] =	wrdreg s26;
	s4 =	sor.u32 s6, s4  }
0xe: {  	s7 =	sshrl.u32 s1, $0x1;
	s6 =	sadd.s32 s4, s5;
	s4 =	smul.u32 $0x300, s4  }
0xf: {  	s26 =	simm.s32 $0x9880;
	s1 =	ssub.s32 s1, s7;
	s6 =	sadd.s32 $0xC00, s6  }
0x10: {  	v2 =	vlaneseq.u32;
	s7 =	simm.s32 $0x2;
	[dreg:$0x3] =	wrdreg s6;
	s4 =	sadd.s32 s3, s4  }
0x11: {  	vm0 =	vmmov $0xffff;
	v1 =	vshrl.u32 v2, $0x3;
	s3 =	sadd.s32 $0xE00, s5;
	s6 =	smax.u32 s1, $0x1;
	s1 =	simm.s32 $0x1  }
0x12: {  	v0 =	vand.u32 $0x7, v2;
	v2 =	vor.u32 $0x8, v2;
	v1 =	vmul.u32 $0x8, v1;
	[dreg:$0x4] =	wrdreg s4;
	s4 =	sadd.s32 $0xF00, s5;
	s5 =	sadd.s32 $0x1000, s5  }
.LBB2_1:
0x13: {  	s0 =	rddreg [dreg:$0x3]  }
0x14: {  	[tilespmem:s2], [sflag:$0x2] =	stream.linear.gather [hbm4b:s0+s2], $0x40, $0x38;
	[tilespmem:$0xC080] =	vst v63  }
0x15: {  	_ =	swait.ge [sflag:s7], $0x40  }
0x16: {  	[sflag:s7] =	ssyncset.done $0x0  }
0x17: {  	s0 =	rddreg [dreg:$0x4];
	[sflag:s7] =	ssyncadd.s32 $0xFFFFFFC0  }
0x18: {  	[tilespmem:s8], [sflag:$0x2] =	stream.linear.gather [hbm4b:s0+s2], $0xC000, $0x38;
	[tilespmem:$0xC080] =	vst v63  }
0x19: {  	_ =	swait.ge [sflag:s7], $0xC000  }
0x1a: {  	[sflag:s7] =	ssyncset.done $0x0  }
0x1b: {  	[sflag:s7] =	ssyncadd.s32 $0xFFFF4000  }
0x1c: {  	v3 =	vld [tilespmem:$0x0];
	_ =	sdelay $0x4  }
0x1d: {  	v4 =	vshrl.u32 v3, $0x3  }
0x1e: {  	v4 =	vmul.u32 $0x30, v4  }
0x1f: {  	v3 =	vand.u32 $0x7, v3  }
0x20: {  	v3 =	vor.u32 v3, v4  }
0x21: {  	v4 =	vperm.xlane v3, v0;
	_ =	sdelay $0x1  }
0x22: {  	v4 =	vadd.s32 v1, v4;
	_ =	sdelay $0x3  }
0x23: {  	v3 =	vperm.xlane v3, v2  }
0x24: {  	[hbm4b:s3+s2] =	stream.indirect_vreg.scatter [tilespmem:s8], [sflag:$0x1], $0x80, v4, vm0, $0xb8;
	[tilespmem:$0xC080] =	vst v63  }
0x25: {  	s0 =	rddreg [dreg:$0x5];
	v3 =	vadd.s32 v1, v3  }
0x26: {  	[hbm4b:s4+s2] =	stream.indirect_vreg.scatter [tilespmem:s0], [sflag:$0x1], $0x80, v4, vm0, $0xb8;
	[tilespmem:$0xC080] =	vst v63  }
0x27: {  	_ = 	snop  }
0x28: {  	[hbm4b:s5+s2] =	stream.indirect_vreg.scatter [tilespmem:s9], [sflag:$0x1], $0x80, v4, vm0, $0xb8;
	[tilespmem:$0xC080] =	vst v63  }
0x29: {  	_ = 	snop  }
0x2a: {  	[hbm4b:s3+s2] =	stream.indirect_vreg.scatter [tilespmem:s10], [sflag:$0x1], $0x80, v3, vm0, $0xb8;
	[tilespmem:$0xC080] =	vst v63  }
0x2b: {  	_ = 	snop  }
0x2c: {  	[hbm4b:s4+s2] =	stream.indirect_vreg.scatter [tilespmem:s11], [sflag:$0x1], $0x80, v3, vm0, $0xb8;
	[tilespmem:$0xC080] =	vst v63  }
0x2d: {  	_ = 	snop  }
0x2e: {  	[hbm4b:s5+s2] =	stream.indirect_vreg.scatter [tilespmem:s12], [sflag:$0x1], $0x80, v3, vm0, $0xb8;
	[tilespmem:$0xC080] =	vst v63  }
0x2f: {  	v3 =	vld [tilespmem:$0x10];
	_ =	sdelay $0x4  }
0x30: {  	v61 =	vshrl.u32 v3, $0x3  }
0x31: {  	v4 =	vmul.u32 $0x30, v61  }
0x32: {  	v3 =	vand.u32 $0x7, v3  }
0x33: {  	v3 =	vor.u32 v3, v4  }
0x34: {  	v4 =	vperm.xlane v3, v0;
	_ =	sdelay $0x1  }
0x35: {  	v4 =	vadd.s32 v1, v4;
	_ =	sdelay $0x3  }
0x36: {  	v3 =	vperm.xlane v3, v2  }
0x37: {  	[hbm4b:s3+s2] =	stream.indirect_vreg.scatter [tilespmem:s13], [sflag:$0x1], $0x80, v4, vm0, $0xb8;
	[tilespmem:$0xC080] =	vst v63  }
0x38: {  	v3 =	vadd.s32 v1, v3  }
0x39: {  	[hbm4b:s4+s2] =	stream.indirect_vreg.scatter [tilespmem:s14], [sflag:$0x1], $0x80, v4, vm0, $0xb8;
	[tilespmem:$0xC080] =	vst v63  }
0x3a: {  	_ = 	snop  }
0x3b: {  	[hbm4b:s5+s2] =	stream.indirect_vreg.scatter [tilespmem:s15], [sflag:$0x1], $0x80, v4, vm0, $0xb8;
	[tilespmem:$0xC080] =	vst v63  }
0x3c: {  	_ = 	snop  }
0x3d: {  	[hbm4b:s3+s2] =	stream.indirect_vreg.scatter [tilespmem:s16], [sflag:$0x1], $0x80, v3, vm0, $0xb8;
	[tilespmem:$0xC080] =	vst v63  }
0x3e: {  	_ = 	snop  }
0x3f: {  	[hbm4b:s4+s2] =	stream.indirect_vreg.scatter [tilespmem:s17], [sflag:$0x1], $0x80, v3, vm0, $0xb8;
	[tilespmem:$0xC080] =	vst v63  }
0x40: {  	_ = 	snop  }
0x41: {  	[hbm4b:s5+s2] =	stream.indirect_vreg.scatter [tilespmem:s18], [sflag:$0x1], $0x80, v3, vm0, $0xb8;
	[tilespmem:$0xC080] =	vst v63  }
0x42: {  	v3 =	vld [tilespmem:$0x20];
	_ =	sdelay $0x4  }
0x43: {  	v62 =	vshrl.u32 v3, $0x3  }
0x44: {  	v4 =	vmul.u32 $0x30, v62  }
0x45: {  	v3 =	vand.u32 $0x7, v3  }
0x46: {  	v3 =	vor.u32 v3, v4  }
0x47: {  	v4 =	vperm.xlane v3, v0;
	_ =	sdelay $0x1  }
0x48: {  	v4 =	vadd.s32 v1, v4;
	_ =	sdelay $0x3  }
0x49: {  	v3 =	vperm.xlane v3, v2  }
0x4a: {  	[hbm4b:s3+s2] =	stream.indirect_vreg.scatter [tilespmem:s19], [sflag:$0x1], $0x80, v4, vm0, $0xb8;
	[tilespmem:$0xC080] =	vst v63  }
0x4b: {  	v3 =	vadd.s32 v1, v3  }
0x4c: {  	[hbm4b:s4+s2] =	stream.indirect_vreg.scatter [tilespmem:s20], [sflag:$0x1], $0x80, v4, vm0, $0xb8;
	[tilespmem:$0xC080] =	vst v63  }
0x4d: {  	_ = 	snop  }
0x4e: {  	[hbm4b:s5+s2] =	stream.indirect_vreg.scatter [tilespmem:s21], [sflag:$0x1], $0x80, v4, vm0, $0xb8;
	[tilespmem:$0xC080] =	vst v63  }
0x4f: {  	_ = 	snop  }
0x50: {  	[hbm4b:s3+s2] =	stream.indirect_vreg.scatter [tilespmem:s22], [sflag:$0x1], $0x80, v3, vm0, $0xb8;
	[tilespmem:$0xC080] =	vst v63  }
0x51: {  	_ = 	snop  }
0x52: {  	[hbm4b:s4+s2] =	stream.indirect_vreg.scatter [tilespmem:s23], [sflag:$0x1], $0x80, v3, vm0, $0xb8;
	[tilespmem:$0xC080] =	vst v63  }
0x53: {  	_ = 	snop  }
0x54: {  	[hbm4b:s5+s2] =	stream.indirect_vreg.scatter [tilespmem:s24], [sflag:$0x1], $0x80, v3, vm0, $0xb8;
	[tilespmem:$0xC080] =	vst v63  }
0x55: {  	v3 =	vld [tilespmem:$0x30];
	_ =	sdelay $0x4  }
0x56: {  	v63 =	vshrl.u32 v3, $0x3  }
0x57: {  	v4 =	vmul.u32 $0x30, v63  }
0x58: {  	v3 =	vand.u32 $0x7, v3  }
0x59: {  	v3 =	vor.u32 v3, v4  }
0x5a: {  	v4 =	vperm.xlane v3, v0;
	_ =	sdelay $0x1  }
0x5b: {  	v4 =	vadd.s32 v1, v4;
	_ =	sdelay $0x3  }
0x5c: {  	v3 =	vperm.xlane v3, v2  }
0x5d: {  	[hbm4b:s3+s2] =	stream.indirect_vreg.scatter [tilespmem:s25], [sflag:$0x1], $0x80, v4, vm0, $0xb8;
	[tilespmem:$0xC080] =	vst v63  }
0x5e: {  	v3 =	vadd.s32 v1, v3  }
0x5f: {  	[hbm4b:s4+s2] =	stream.indirect_vreg.scatter [tilespmem:s26], [sflag:$0x1], $0x80, v4, vm0, $0xb8;
	[tilespmem:$0xC080] =	vst v63  }
0x60: {  	_ = 	snop  }
0x61: {  	[hbm4b:s5+s2] =	stream.indirect_vreg.scatter [tilespmem:s28], [sflag:$0x1], $0x80, v4, vm0, $0xb8;
	[tilespmem:$0xC080] =	vst v63  }
0x62: {  	_ = 	snop  }
0x63: {  	[hbm4b:s3+s2] =	stream.indirect_vreg.scatter [tilespmem:s29], [sflag:$0x1], $0x80, v3, vm0, $0xb8;
	[tilespmem:$0xC080] =	vst v63  }
0x64: {  	p0 =	sne.s32 s6, $0x1  }
0x65: {  	[hbm4b:s4+s2] =	stream.indirect_vreg.scatter [tilespmem:s30], [sflag:$0x1], $0x80, v3, vm0, $0xb8;
	[tilespmem:$0xC080] =	vst v63  }
.Ltmp0:
0x66: {  	_ = 	snop;
	(pc) =	sbr.rel @p0 .LBB2_1-.Ltmp0, $4  }
0x67: {  	[hbm4b:s5+s2] =	stream.indirect_vreg.scatter [tilespmem:s31], [sflag:$0x1], $0x80, v3, vm0, $0xb8;
	[tilespmem:$0xC080] =	vst v63  }
0x68: {  	_ =	swait.ge [sflag:s1], $0xC000  }
0x69: {  	[sflag:s1] =	ssyncset.done $0x0  }
0x6a: {  	s6 =	sadd.s32 $0xFFFFFFFF, s6;
	[sflag:s1] =	ssyncadd.s32 $0xFFFF4000  }
0x6b: {  	_ =	sfence.sel $0x180000  }
0x6c: {  	[bflag:$0x0] =	sbarrier.arrive $0xFFFF  }
0x6d: {  	_ =	strace $0x90000047  }
0x6e: {  	s0 =	stileid.u32;
	[bflag:$0x2] =	sbarrier.arrive $0xFFFF  }
0x6f: {  	p0 =	sne.s32 s0, $0x0;
	s0 =	rddreg [dreg:$0x2]  }
0x70: {  	s0 =	sadd.s32 @!p0 $0x100000, s0  }
0x71: {  	[sflag:s0] =	ssyncadd.tile.s32 @!p0 $0x1;
	_ =	shalt  }
.Lfunc_end2:
_tile_overlayer_lowered:
.L_overlay_start_2:
0x72: {  	(tag) =	ssettag $0x2  }
0x73: {  	s0 =	rddreg [dreg:$0x0];
	s2 =	stileid.u32  }
0x74: {  	s1 =	rddreg [dreg:$0x1];
	p0 =	sne.s32 s2, $0x0  }
0x75: {  	s3 =	rddreg [dreg:$0x2];
	[bflag:$0x3] =	sbarrier.arrive $0xFFFF;
	s2 =	simm.s32 @!p0 $0x1C02  }
0x76: {  	[timem:s3], [sflag:s2] =	dma.local @!p0 [hbm:s0], s1  }
0x77: {  	s0 =	simm.s32 @!p0 $0x2  }
0x78: {  	_ =	swait.ge @!p0 [sflag:s0], s1  }
0x79: {  	s1 =	ssub.s32 @!p0 $0x0, s1;
	[sflag:s0] =	ssyncset.done @!p0 $0x0  }
0x7a: {  	[sflag:s0] =	ssyncadd.s32 @!p0 s1  }
0x7b: {  	[bflag:$0x3] =	sbarrier.arrive $0xFFFF  }
0x7c: {  	_ =	shalt  }

// kernel: kernel.9.cloned.1.call-start
scs
__scs_entry_jumppad:
0x0: {  	(pc) =	sbr.rel $0x88, $3  }
0x1: {  	(tag) =	ssettag $0x0;
	lr =	simm.s32 $0x1  }
0x2: {  	[smem:$0x3F9C] =	sst lr;
	_ =	strace $0xD0000000  }
0x3: {  	_ = 	snop  }
0x4: {  	_ = 	snop  }
0x5: {  	_ = 	snop  }
0x6: {  	_ = 	snop  }
0x7: {  	_ = 	snop  }
__scs_overlays_trampoline_lowered:
0x8: {  	[smem:$0x3FAB] =	sst s0  }
0x9: {  	[smem:$0x3FAC] =	sst s1  }
0xa: {  	[smem:$0x3FAD] =	sst s2  }
0xb: {  	[smem:$0x3FAE] =	sst s3  }
0xc: {  	[smem:$0x3FAF] =	sst s4  }
0xd: {  	[smem:$0x3FB0] =	sst s5  }
0xe: {  	[smem:$0x3FB1] =	sst s6  }
0xf: {  	[smem:$0x3FB2] =	sst s7  }
0x10: {  	[smem:$0x3FB3] =	sst s8  }
0x11: {  	[smem:$0x3FB4] =	sst s9;
	s0 =	simm.s32 @!p0 $0x0  }
0x12: {  	s1 =	sld [smem:$0x3F9A];
	s0 =	simm.s32 @p0 $0x1  }
0x13: {  	[smem:$0x3FB5] =	sst s0;
	s0 =	simm.s32 @!p1 $0x0  }
0x14: {  	s2 =	sld [smem:$0x3F99];
	s0 =	simm.s32 @p1 $0x1  }
0x15: {  	[smem:$0x3FB6] =	sst s0;
	s0 =	simm.s32 @!p2 $0x0  }
0x16: {  	s3 =	sld [smem:$0x3FDB];
	s0 =	simm.s32 @p2 $0x1  }
0x17: {  	s4 =	simm.s32 $0x1BF5;
	[smem:$0x3FB8] =	sst s0  }
0x18: {  	s0 =	sld [smem:$0x3F9B];
	_ =	swait.ge [sflag:s4], $0x0  }
0x19: {  	s7 =	sld [smem:$0x3F9C]  }
0x1a: {  	s8 =	sadd.s32 $0xFFFFE003, lr  }
0x1b: {  	s9 =	sadd.s32 $0xFFFFFEF7, lr;
	s5 =	simm.s32 $0xFFFFFFFF;
	p2 =	slt.u32 s8, $0xFFFFF086  }
0x1c: {  	p1 =	slt.u32 s9, $0xF7A;
	s5 =	simm.s32 @!p2 $0x0  }
0x1d: {  	s5 =	simm.s32 @p1 $0x1;
	p0 =	seq.s32 s7, s2  }
0x1e: {  	s7 =	smul.u32 @!p0 $0xF7A, s2;
	p2 =	seq.s32 @!p0 s5, $0x0  }
0x1f: {  	s9 =	smul.u32 $0xF7A, s1;
	s8 =	simm.s32 @!p0 $0x1BF5;
	p2 =	por !p2, p0  }
0x20: {  	[sflag:s8] =	ssyncset.s32 @!p0 $0xFFFFF086;
	s6 =	sadd.s32 @!p0 s3, s7;
	s7 =	simm.s32 @!p0 $0x108  }
0x21: {  	s3 =	sadd.s32 s3, s9;
	s6 =	sadd.s32 @!p0 $0x88, s6;
	s7 =	simm.s32 @p2 $0x1082  }
0x22: {  	[simem:s7], [sflag:s8] =	dma.local @!p0 [hbm:s6], $0xF7A  }
0x23: {  	s9 =	sor.u32 $0xD0000000, s2;
	s6 =	simm.s32 $0x108;
	_ =	swait.ge @!p0 [sflag:s8], $0x0  }
0x24: {  	s3 =	sadd.s32 $0x88, s3;
	s6 =	simm.s32 @!p1 $0x1082;
	[sflag:s4] =	ssyncset.s32 $0xFFFFF086  }
0x25: {  	[simem:s6], [sflag:s4] =	dma.local [hbm:s3], $0xF7A  }
0x26: {  	[smem:$0x3F9C] =	sst s1;
	(tag) =	ssettag s2;
	_ =	strace s9  }
0x27: {  	s1 =	sld [smem:$0x3FAC]  }
0x28: {  	s2 =	sld [smem:$0x3FAD]  }
0x29: {  	s4 =	sld [smem:$0x3FAF]  }
0x2a: {  	p0 =	seq.s32 s5, $0x0;
	s5 =	sld [smem:$0x3FB0]  }
0x2b: {  	s6 =	sld [smem:$0x3FB1]  }
0x2c: {  	s7 =	sld [smem:$0x3FB2]  }
0x2d: {  	s3 =	simm.s32 $0x108;
	s8 =	sld [smem:$0x3FB3]  }
0x2e: {  	s3 =	simm.s32 @!p0 $0x1082;
	s9 =	sld [smem:$0x3FB4]  }
0x2f: {  	lr =	sadd.s32 s0, s3;
	s0 =	sld [smem:$0x3FAB]  }
0x30: {  	s3 =	sld [smem:$0x3FAE]  }
0x31: {  	[smem:$0x3FB7] =	sst s10  }
0x32: {  	s10 =	sld [smem:$0x3FB5];
	_ =	sdelay $0x3  }
0x33: {  	p0 =	seq.s32 s10, $0x1;
	s10 =	sld [smem:$0x3FB7];
	_ =	sdelay $0x3  }
0x34: {  	[smem:$0x3FB7] =	sst s10  }
0x35: {  	s10 =	sld [smem:$0x3FB6];
	_ =	sdelay $0x3  }
0x36: {  	p1 =	seq.s32 s10, $0x1;
	s10 =	sld [smem:$0x3FB7];
	_ =	sdelay $0x3  }
0x37: {  	[smem:$0x3FB7] =	sst s10  }
0x38: {  	s10 =	sld [smem:$0x3FB8]  }
0x39: {  	_ = 	snop;
	(pc) =	sbr.ind lr, $3  }
0x3a: {  	_ = 	snop  }
0x3b: {  	_ = 	snop  }
0x3c: {  	p2 =	seq.s32 s10, $0x1;
	s10 =	sld [smem:$0x3FB7]  }
0x3d: {  	_ =	shalt  }
0x3e: {  	_ =	shalt  }
0x3f: {  	_ =	shalt  }
0x40: {  	_ =	shalt  }
0x41: {  	_ =	shalt  }
0x42: {  	_ =	shalt  }
0x43: {  	_ =	shalt  }
0x44: {  	_ =	shalt  }
0x45: {  	_ =	shalt  }
0x46: {  	_ =	shalt  }
0x47: {  	_ =	shalt  }
0x48: {  	_ =	shalt  }
0x49: {  	_ =	shalt  }
0x4a: {  	_ =	shalt  }
0x4b: {  	_ =	shalt  }
0x4c: {  	_ =	shalt  }
0x4d: {  	_ =	shalt  }
0x4e: {  	_ =	shalt  }
0x4f: {  	_ =	shalt  }
0x50: {  	_ =	shalt  }
0x51: {  	_ =	shalt  }
0x52: {  	_ =	shalt  }
0x53: {  	_ =	shalt  }
0x54: {  	_ =	shalt  }
0x55: {  	_ =	shalt  }
0x56: {  	_ =	shalt  }
0x57: {  	_ =	shalt  }
0x58: {  	_ =	shalt  }
0x59: {  	_ =	shalt  }
0x5a: {  	_ =	shalt  }
0x5b: {  	_ =	shalt  }
0x5c: {  	_ =	shalt  }
0x5d: {  	_ =	shalt  }
0x5e: {  	_ =	shalt  }
0x5f: {  	_ =	shalt  }
0x60: {  	_ =	shalt  }
0x61: {  	_ =	shalt  }
0x62: {  	_ =	shalt  }
0x63: {  	_ =	shalt  }
0x64: {  	_ =	shalt  }
0x65: {  	_ =	shalt  }
0x66: {  	_ =	shalt  }
0x67: {  	_ =	shalt  }
0x68: {  	_ =	shalt  }
0x69: {  	_ =	shalt  }
0x6a: {  	_ =	shalt  }
0x6b: {  	_ =	shalt  }
0x6c: {  	_ =	shalt  }
0x6d: {  	_ =	shalt  }
0x6e: {  	_ =	shalt  }
0x6f: {  	_ =	shalt  }
0x70: {  	_ =	shalt  }
0x71: {  	_ =	shalt  }
0x72: {  	_ =	shalt  }
0x73: {  	_ =	shalt  }
0x74: {  	_ =	shalt  }
0x75: {  	_ =	shalt  }
0x76: {  	_ =	shalt  }
0x77: {  	_ =	shalt  }
0x78: {  	_ =	shalt  }
0x79: {  	_ =	shalt  }
0x7a: {  	_ =	shalt  }
0x7b: {  	_ =	shalt  }
0x7c: {  	_ =	shalt  }
0x7d: {  	_ =	shalt  }
0x7e: {  	_ =	shalt  }
0x7f: {  	_ =	shalt  }
0x80: {  	_ =	shalt  }
0x81: {  	_ =	shalt  }
0x82: {  	_ =	shalt  }
0x83: {  	_ =	shalt  }
0x84: {  	_ =	shalt  }
0x85: {  	_ =	shalt  }
0x86: {  	_ =	shalt  }
0x87: {  	_ =	shalt  }
.Lfunc_end0:
.L_simem_size_0:
called_computation.1_lowered:
.L_overlay_start_0:
0x88: {  	s2 =	sld [smem:$0x3FD9]  }
0x89: {  	s3 =	sld [smem:$0x3FFE];
	_ =	sdelay $0x1  }
0x8a: {  	s1 =	srdreg.scid  }
0x8b: {  	s0 =	sand.u32 $0x1, s1  }
0x8c: {  	s17 =	sshll.u32 s0, $0xA;
	s2 =	sadd.s32 s3, s2  }
0x8d: {  	s2 =	sadd.s32 s2, s17  }
0x8e: {  	[smem:$0x3FC3] =	sst s2  }
0x8f: {  	_ = 	snop  }
0x90: {  	s2 =	sld [smem:$0x3FD0];
	(tm) =	ssettm $0x1  }
0x91: {  	s18 =	sld [smem:$0x3FFB];
	_ =	sdelay $0x3  }
0x92: {  	_ =	strace s18  }
0x93: {  	s3 =	sld [smem:$0x3FFC];
	_ =	sdelay $0x3  }
0x94: {  	_ =	strace s3  }
0x95: {  	s3 =	sld [smem:$0x3FFD];
	_ =	sdelay $0x3  }
0x96: {  	_ =	strace s3  }
0x97: {  	_ =	strace $0x8FFFFFFF  }
0x98: {  	s19 =	sld [smem:$0x3FDB];
	_ =	sdelay $0x1  }
0x99: {  	s4 =	simm.s32 $_scs_section_size  }
0x9a: {  	s5 =	simm.s32 $_size__tile_overlayer_lowered;
	s6 =	simm.s32 $_tile_overlayer_lowered  }
0x9b: {  	s22 =	simm.s32 $0x1BFF;
	s21 =	sshll.u32 s6, $0x1;
	s3 =	sadd.s32 s4, s19  }
0x9c: {  	s7 =	simm.s32 $0x0;
	s20 =	sshll.u32 s5, $0x1;
	s5 =	sadd.s32 s21, s3  }
0x9d: {  	[timem:s7], [sflag:s22] =	dma.local [hbm:s5], s20  }
0x9e: {  	_ =	swait.ge [sflag:s22], s20  }
0x9f: {  	s4 =	ssub.s32 $0x0, s20;
	[sflag:s22] =	ssyncset.done $0x0  }
0xa0: {  	[sflag:s22] =	ssyncadd.s32 s4;
	_ =	sdelay $0x1  }
0xa1: {  	s23 =	simm.s32 $0x1B8B  }
0xa2: {  	_ =	swait.ge [sflag:s23], $0x1  }
0xa3: {  	[sflag:s23] =	ssyncset.done $0x0  }
0xa4: {  	s25 =	simm.s32 $0x1B8E;
	s24 =	sld [smem:$0x3FFE];
	[sflag:s23] =	ssyncadd.s32 $0xFFFFFFFF  }
0xa5: {  	s26 =	simm.s32 $execute0_lowered;
	[smem:$0x3FD2] =	sst s25  }
0xa6: {  	s5 =	sshll.u32 s26, $0x1;
	_ =	strace $0x80000049;
	[dreg:$0x1] =	wrdreg $0xFFFFFFFF  }
0xa7: {  	s28 =	simm.s32 $_size_execute0_lowered;
	s3 =	sadd.s32 s3, s5;
	[dreg:$0x0] =	wrdreg $0x0  }
0xa8: {  	s5 =	sshll.u32 s28, $0x1;
	[dreg:$0x2] =	wrdreg s3  }
0xa9: {  	[dreg:$0x3] =	wrdreg s5  }
0xaa: {  	[dreg:$0x4] =	wrdreg $0xC0  }
0xab: {  	_ =	task [dreg:s7], $0x5FFFF  }
0xac: {  	[dreg:$0x1] =	wrdreg $0xFFFFFFFF  }
0xad: {  	[dreg:$0x0] =	wrdreg $0x60  }
0xae: {  	[dreg:$0x2] =	wrdreg s24  }
0xaf: {  	[dreg:$0x3] =	wrdreg s2  }
0xb0: {  	[dreg:$0x4] =	wrdreg $0x9  }
0xb1: {  	_ =	task.clear_ibuf [dreg:s7], $0x5FFFF;
	_ =	strace $0x90000049  }
0xb2: {  	s29 =	simm.s32 $0x9;
	_ =	strace $0x8000004B  }
0xb3: {  	_ =	swait.ge [sflag:s29], $0x1  }
0xb4: {  	[sflag:s29] =	ssyncadd.s32 $0xFFFFFFFF  }
0xb5: {  	_ =	strace $0x9000004B  }
0xb6: {  	_ =	sfence  }
0xb7: {  	s30 =	sld [smem:$0x0];
	_ =	sdelay $0x2  }
0xb8: {  	s31 =	sshll.u32 s1, $0xD;
	s1 =	sshrl.u32 s1, $0x2  }
0xb9: {  	s3 =	sand.u32 $0x4000, s31;
	s1 =	sadd.s32 s1, s30  }
0xba: {  	s0 =	sor.u32 s3, s0;
	s1 =	sshll.u32 s1, $0x11  }
0xbb: {  	s0 =	sor.u32 s1, s0  }
0xbc: {  	s0 =	sadd.s32 $0x8F2B, s0  }
0xbd: {  	[sflag:s0] =	ssyncadd.remote.s32 $0x1  }
0xbe: {  	_ =	sfence.sel $0xFFFF  }
0xbf: {  	[dreg:$0x0] =	wrdreg $0xFFFFFFFF;
	(pc) =	sbr.abs _section_cstart, $3  }
0xc0: {  	[dreg:$0x1] =	wrdreg $0xFFFFFFFF  }
0xc1: {  	_ =	task.clear_ibuf [dreg:s7], $0x2FFFF;
	_ =	strace $0x9FFFFFFF  }
0xc2: {  	(tm) =	ssettm $0x7FFFFFFF  }
0xc3: {  	_ =	shalt  }
tec
execute0_lowered:
.L_overlay_start_1:
0x0: {  	(tag) =	ssettag $0x1  }
0x1: {  	s0 =	rddreg [dreg:$0x0]  }
0x2: {  	s5 =	rddreg [dreg:$0x1];
	s3 =	srdreg.scid  }
0x3: {  	s2 =	simm.s32 $0x0;
	s1 =	stileid.u32;
	s26 =	simm.s32 $0x880  }
0x4: {  	s10 =	simm.s32 $0x1880;
	s11 =	simm.s32 $0x2080;
	s12 =	simm.s32 $0x2880  }
0x5: {  	s13 =	simm.s32 $0x3080;
	s14 =	simm.s32 $0x3880;
	s15 =	simm.s32 $0x4080  }
0x6: {  	s16 =	simm.s32 $0x4880;
	s17 =	simm.s32 $0x5080;
	s18 =	simm.s32 $0x5880  }
0x7: {  	s19 =	simm.s32 $0x6080;
	s20 =	simm.s32 $0x6880;
	s21 =	simm.s32 $0x7080  }
0x8: {  	s22 =	simm.s32 $0x7880;
	s28 =	simm.s32 $0xA080;
	s29 =	simm.s32 $0xA880  }
0x9: {  	s30 =	simm.s32 $0xB080;
	s31 =	simm.s32 $0xB880;
	s3 =	sand.u32 $0x1, s3  }
0xa: {  	[smem:$0x7FF] =	sst s2;
	s4 =	sshll.u32 s1, $0x4;
	s6 =	sshll.u32 s3, $0x3  }
0xb: {  	_ =	strace $0x8000004A;
	s23 =	ssub.s32 $0x2, s3;
	s3 =	sadd.s32 $0xE00, s0  }
0xc: {  	[dreg:$0x5] =	wrdreg s26;
	s26 =	simm.s32 $0x9880;
	s4 =	sor.u32 s6, s4  }
0xd: {  	s8 =	sshrl.u32 s23, $0x1;
	s7 =	sadd.s32 s4, s0;
	s9 =	smul.u32 $0x300, s4  }
0xe: {  	s6 =	ssub.s32 s23, s8;
	s4 =	sadd.s32 $0xF00, s0;
	s8 =	simm.s32 $0x80  }
0xf: {  	s23 =	simm.s32 $0x8080;
	s24 =	sadd.s32 $0xC00, s7;
	s6 =	smax.u32 s6, $0x1  }
0x10: {  	v2 =	vlaneseq.u32;
	s7 =	simm.s32 $0x2;
	[dreg:$0x3] =	wrdreg s24;
	s25 =	sadd.s32 s5, s9  }
0x11: {  	vm0 =	vmmov $0xffff;
	v1 =	vshrl.u32 v2, $0x3;
	s5 =	sadd.s32 $0x1000, s0;
	s9 =	simm.s32 $0x1080;
	s24 =	simm.s32 $0x8880  }
0x12: {  	v0 =	vand.u32 $0x7, v2;
	v2 =	vor.u32 $0x8, v2;
	v1 =	vmul.u32 $0x8, v1;
	s0 =	simm.s32 $0x1;
	[dreg:$0x4] =	wrdreg s25;
	s25 =	simm.s32 $0x9080  }
.LBB2_1:
0x13: {  	s1 =	rddreg [dreg:$0x3]  }
0x14: {  	[tilespmem:s2], [sflag:$0x2] =	stream.linear.gather [hbm4b:s1+s2], $0x40, $0x38;
	[tilespmem:$0xC080] =	vst v63  }
0x15: {  	_ =	swait.ge [sflag:s7], $0x40  }
0x16: {  	[sflag:s7] =	ssyncset.done $0x0  }
0x17: {  	[sflag:s7] =	ssyncadd.s32 $0xFFFFFFC0  }
0x18: {  	v3 =	vld [tilespmem:$0x0];
	_ =	sdelay $0x4  }
0x19: {  	v4 =	vshrl.u32 v3, $0x3  }
0x1a: {  	v4 =	vmul.u32 $0x30, v4  }
0x1b: {  	v3 =	vand.u32 $0x7, v3  }
0x1c: {  	v3 =	vor.u32 v3, v4  }
0x1d: {  	v4 =	vperm.xlane v3, v0;
	_ =	sdelay $0x1  }
0x1e: {  	v4 =	vadd.s32 v1, v4;
	_ =	sdelay $0x3  }
0x1f: {  	v3 =	vperm.xlane v3, v2  }
0x20: {  	[tilespmem:s8], [sflag:$0x1] =	stream.indirect_vreg.gather [hbm4b:s3+s2], $0x80, v4, vm0, $0xb8;
	[tilespmem:$0xC080] =	vst v63  }
0x21: {  	s1 =	rddreg [dreg:$0x5];
	v3 =	vadd.s32 v1, v3  }
0x22: {  	[tilespmem:s1], [sflag:$0x1] =	stream.indirect_vreg.gather [hbm4b:s4+s2], $0x80, v4, vm0, $0xb8;
	[tilespmem:$0xC080] =	vst v63  }
0x23: {  	_ = 	snop  }
0x24: {  	[tilespmem:s9], [sflag:$0x1] =	stream.indirect_vreg.gather [hbm4b:s5+s2], $0x80, v4, vm0, $0xb8;
	[tilespmem:$0xC080] =	vst v63  }
0x25: {  	_ = 	snop  }
0x26: {  	[tilespmem:s10], [sflag:$0x1] =	stream.indirect_vreg.gather [hbm4b:s3+s2], $0x80, v3, vm0, $0xb8;
	[tilespmem:$0xC080] =	vst v63  }
0x27: {  	_ = 	snop  }
0x28: {  	[tilespmem:s11], [sflag:$0x1] =	stream.indirect_vreg.gather [hbm4b:s4+s2], $0x80, v3, vm0, $0xb8;
	[tilespmem:$0xC080] =	vst v63  }
0x29: {  	_ = 	snop  }
0x2a: {  	[tilespmem:s12], [sflag:$0x1] =	stream.indirect_vreg.gather [hbm4b:s5+s2], $0x80, v3, vm0, $0xb8;
	[tilespmem:$0xC080] =	vst v63  }
0x2b: {  	v3 =	vld [tilespmem:$0x10];
	_ =	sdelay $0x4  }
0x2c: {  	v61 =	vshrl.u32 v3, $0x3  }
0x2d: {  	v4 =	vmul.u32 $0x30, v61  }
0x2e: {  	v3 =	vand.u32 $0x7, v3  }
0x2f: {  	v3 =	vor.u32 v3, v4  }
0x30: {  	v4 =	vperm.xlane v3, v0;
	_ =	sdelay $0x1  }
0x31: {  	v4 =	vadd.s32 v1, v4;
	_ =	sdelay $0x3  }
0x32: {  	v3 =	vperm.xlane v3, v2  }
0x33: {  	[tilespmem:s13], [sflag:$0x1] =	stream.indirect_vreg.gather [hbm4b:s3+s2], $0x80, v4, vm0, $0xb8;
	[tilespmem:$0xC080] =	vst v63  }
0x34: {  	v3 =	vadd.s32 v1, v3  }
0x35: {  	[tilespmem:s14], [sflag:$0x1] =	stream.indirect_vreg.gather [hbm4b:s4+s2], $0x80, v4, vm0, $0xb8;
	[tilespmem:$0xC080] =	vst v63  }
0x36: {  	_ = 	snop  }
0x37: {  	[tilespmem:s15], [sflag:$0x1] =	stream.indirect_vreg.gather [hbm4b:s5+s2], $0x80, v4, vm0, $0xb8;
	[tilespmem:$0xC080] =	vst v63  }
0x38: {  	_ = 	snop  }
0x39: {  	[tilespmem:s16], [sflag:$0x1] =	stream.indirect_vreg.gather [hbm4b:s3+s2], $0x80, v3, vm0, $0xb8;
	[tilespmem:$0xC080] =	vst v63  }
0x3a: {  	_ = 	snop  }
0x3b: {  	[tilespmem:s17], [sflag:$0x1] =	stream.indirect_vreg.gather [hbm4b:s4+s2], $0x80, v3, vm0, $0xb8;
	[tilespmem:$0xC080] =	vst v63  }
0x3c: {  	_ = 	snop  }
0x3d: {  	[tilespmem:s18], [sflag:$0x1] =	stream.indirect_vreg.gather [hbm4b:s5+s2], $0x80, v3, vm0, $0xb8;
	[tilespmem:$0xC080] =	vst v63  }
0x3e: {  	v3 =	vld [tilespmem:$0x20];
	_ =	sdelay $0x4  }
0x3f: {  	v62 =	vshrl.u32 v3, $0x3  }
0x40: {  	v4 =	vmul.u32 $0x30, v62  }
0x41: {  	v3 =	vand.u32 $0x7, v3  }
0x42: {  	v3 =	vor.u32 v3, v4  }
0x43: {  	v4 =	vperm.xlane v3, v0;
	_ =	sdelay $0x1  }
0x44: {  	v4 =	vadd.s32 v1, v4;
	_ =	sdelay $0x3  }
0x45: {  	v3 =	vperm.xlane v3, v2  }
0x46: {  	[tilespmem:s19], [sflag:$0x1] =	stream.indirect_vreg.gather [hbm4b:s3+s2], $0x80, v4, vm0, $0xb8;
	[tilespmem:$0xC080] =	vst v63  }
0x47: {  	v3 =	vadd.s32 v1, v3  }
0x48: {  	[tilespmem:s20], [sflag:$0x1] =	stream.indirect_vreg.gather [hbm4b:s4+s2], $0x80, v4, vm0, $0xb8;
	[tilespmem:$0xC080] =	vst v63  }
0x49: {  	_ = 	snop  }
0x4a: {  	[tilespmem:s21], [sflag:$0x1] =	stream.indirect_vreg.gather [hbm4b:s5+s2], $0x80, v4, vm0, $0xb8;
	[tilespmem:$0xC080] =	vst v63  }
0x4b: {  	_ = 	snop  }
0x4c: {  	[tilespmem:s22], [sflag:$0x1] =	stream.indirect_vreg.gather [hbm4b:s3+s2], $0x80, v3, vm0, $0xb8;
	[tilespmem:$0xC080] =	vst v63  }
0x4d: {  	_ = 	snop  }
0x4e: {  	[tilespmem:s23], [sflag:$0x1] =	stream.indirect_vreg.gather [hbm4b:s4+s2], $0x80, v3, vm0, $0xb8;
	[tilespmem:$0xC080] =	vst v63  }
0x4f: {  	_ = 	snop  }
0x50: {  	[tilespmem:s24], [sflag:$0x1] =	stream.indirect_vreg.gather [hbm4b:s5+s2], $0x80, v3, vm0, $0xb8;
	[tilespmem:$0xC080] =	vst v63  }
0x51: {  	v3 =	vld [tilespmem:$0x30];
	_ =	sdelay $0x4  }
0x52: {  	v63 =	vshrl.u32 v3, $0x3  }
0x53: {  	v4 =	vmul.u32 $0x30, v63  }
0x54: {  	v3 =	vand.u32 $0x7, v3  }
0x55: {  	v3 =	vor.u32 v3, v4  }
0x56: {  	v4 =	vperm.xlane v3, v0;
	_ =	sdelay $0x1  }
0x57: {  	v4 =	vadd.s32 v1, v4;
	_ =	sdelay $0x3  }
0x58: {  	v3 =	vperm.xlane v3, v2  }
0x59: {  	[tilespmem:s25], [sflag:$0x1] =	stream.indirect_vreg.gather [hbm4b:s3+s2], $0x80, v4, vm0, $0xb8;
	[tilespmem:$0xC080] =	vst v63  }
0x5a: {  	v3 =	vadd.s32 v1, v3  }
0x5b: {  	[tilespmem:s26], [sflag:$0x1] =	stream.indirect_vreg.gather [hbm4b:s4+s2], $0x80, v4, vm0, $0xb8;
	[tilespmem:$0xC080] =	vst v63  }
0x5c: {  	_ = 	snop  }
0x5d: {  	[tilespmem:s28], [sflag:$0x1] =	stream.indirect_vreg.gather [hbm4b:s5+s2], $0x80, v4, vm0, $0xb8;
	[tilespmem:$0xC080] =	vst v63  }
0x5e: {  	_ = 	snop  }
0x5f: {  	[tilespmem:s29], [sflag:$0x1] =	stream.indirect_vreg.gather [hbm4b:s3+s2], $0x80, v3, vm0, $0xb8;
	[tilespmem:$0xC080] =	vst v63  }
0x60: {  	_ = 	snop  }
0x61: {  	[tilespmem:s30], [sflag:$0x1] =	stream.indirect_vreg.gather [hbm4b:s4+s2], $0x80, v3, vm0, $0xb8;
	[tilespmem:$0xC080] =	vst v63  }
0x62: {  	_ = 	snop  }
0x63: {  	[tilespmem:s31], [sflag:$0x1] =	stream.indirect_vreg.gather [hbm4b:s5+s2], $0x80, v3, vm0, $0xb8;
	[tilespmem:$0xC080] =	vst v63  }
0x64: {  	_ =	swait.ge [sflag:s0], $0xC000  }
0x65: {  	p0 =	sne.s32 s6, $0x1;
	[sflag:s0] =	ssyncset.done $0x0  }
.Ltmp0:
0x66: {  	s1 =	rddreg [dreg:$0x4];
	[sflag:s0] =	ssyncadd.s32 $0xFFFF4000;
	(pc) =	sbr.rel @p0 .LBB2_1-.Ltmp0, $4  }
0x67: {  	[hbm4b:s1+s2] =	stream.linear.scatter [tilespmem:s8], [sflag:$0x2], $0xC000, $0x38;
	[tilespmem:$0xC080] =	vst v63  }
0x68: {  	_ =	swait.ge [sflag:s7], $0xC000  }
0x69: {  	[sflag:s7] =	ssyncset.done $0x0  }
0x6a: {  	s6 =	sadd.s32 $0xFFFFFFFF, s6;
	[sflag:s7] =	ssyncadd.s32 $0xFFFF4000  }
0x6b: {  	_ =	sfence.sel $0x180000  }
0x6c: {  	[bflag:$0x0] =	sbarrier.arrive $0xFFFF  }
0x6d: {  	_ =	strace $0x9000004A  }
0x6e: {  	s0 =	stileid.u32;
	[bflag:$0x2] =	sbarrier.arrive $0xFFFF  }
0x6f: {  	p0 =	sne.s32 s0, $0x0;
	s0 =	rddreg [dreg:$0x2]  }
0x70: {  	s0 =	sadd.s32 @!p0 $0x100000, s0  }
0x71: {  	[sflag:s0] =	ssyncadd.tile.s32 @!p0 $0x1;
	_ =	shalt  }
.Lfunc_end2:
_tile_overlayer_lowered:
.L_overlay_start_2:
0x72: {  	(tag) =	ssettag $0x2  }
0x73: {  	s0 =	rddreg [dreg:$0x0];
	s2 =	stileid.u32  }
0x74: {  	s1 =	rddreg [dreg:$0x1];
	p0 =	sne.s32 s2, $0x0  }
0x75: {  	s3 =	rddreg [dreg:$0x2];
	[bflag:$0x3] =	sbarrier.arrive $0xFFFF;
	s2 =	simm.s32 @!p0 $0x1C02  }
0x76: {  	[timem:s3], [sflag:s2] =	dma.local @!p0 [hbm:s0], s1  }
0x77: {  	s0 =	simm.s32 @!p0 $0x2  }
0x78: {  	_ =	swait.ge @!p0 [sflag:s0], s1  }
0x79: {  	s1 =	ssub.s32 @!p0 $0x0, s1;
	[sflag:s0] =	ssyncset.done @!p0 $0x0  }
0x7a: {  	[sflag:s0] =	ssyncadd.s32 @!p0 s1  }
0x7b: {  	[bflag:$0x3] =	sbarrier.arrive $0xFFFF  }
0x7c: {  	_ =	shalt  }

</sc_bundles>
